<compile_context>
chip_gen: v7x
topology: tpu7x:2x2x1
jax: 0.10.2.dev20260603
libtpu: 0.0.44.dev20260713+nightly
codegen_flags: <defaults>
</compile_context>

<pallas_src>
import functools

import jax
import jax.numpy as jnp
from jax import lax
from jax.experimental import pallas as pl
from jax.experimental.pallas import tpu as pltpu
from jax.experimental.pallas import tpu_sc as plsc

N = 10000
E = 320000
F = 128
NUM_OUT = 16
NC, NS = 2, 16
NW = NC * NS
EPT = E // NW
CH = 96
NCH_E = 105
NCH_A = NCH_E + 4
EPT_PAD = NCH_A * CH
IRING = 8
DUMMY = N
N_PAD = 10240
SLAB = N_PAD // NS


def _sc_mesh():
    return plsc.VectorSubcoreMesh(
        core_axis_name="c", subcore_axis_name="s", num_cores=NC, num_subcores=NS
    )


def _deg_body(dst_hbm, zeros1_hbm, deg_hbm, dstv, onesv, degsh, sems):
    cid = lax.axis_index("c")
    sid = lax.axis_index("s")
    wid = cid * NS + sid
    pltpu.sync_copy(zeros1_hbm, degsh.at[pl.ds(sid * SLAB, SLAB)])
    pltpu.sync_copy(dst_hbm.at[wid], dstv)
    for i in range(CH // 16):
        onesv[pl.ds(i * 16, 16)] = jnp.ones((16,), jnp.float32)
    plsc.subcore_barrier()

    def step(j, carry):
        pltpu.async_copy(onesv, degsh.at[dstv.at[j]], sems, add=True)
        return carry

    lax.fori_loop(0, NCH_E, step, 0)

    def drain(j, carry):
        pltpu.make_async_copy(onesv, degsh.at[dstv.at[0]], sems).wait()
        return carry

    lax.fori_loop(0, NCH_E, drain, 0)
    plsc.subcore_barrier()
    pltpu.sync_copy(degsh.at[pl.ds(sid * SLAB, SLAB)],
                    deg_hbm.at[cid, pl.ds(sid * SLAB, SLAB)])


def _sc_degree(dst3, zeros1):
    return pl.kernel(
        _deg_body,
        out_type=jax.ShapeDtypeStruct((NC, N_PAD), jnp.float32),
        mesh=_sc_mesh(),
        scratch_types=[
            pltpu.VMEM((NCH_A, CH), jnp.int32),
            pltpu.VMEM((CH,), jnp.float32),
            pltpu.VMEM_SHARED((N_PAD,), jnp.float32),
            pltpu.SemaphoreType.DMA,
        ],
    )(dst3, zeros1)


def _agg_body(src_hbm, dst_hbm, yp_hbm, norm_hbm, zeros1_hbm, zeros2_hbm,
              raw_hbm, t_hbm, srcv, dstv, rows0, rows1, rows2, nb0, nb1, nb2,
              rawsh, tsh, semi, semr0, semr1, semr2, semng0, semng1, semng2,
              semsr0, semsr1, semsr2, semsn0, semsn1, semsn2):
    cid = lax.axis_index("c")
    sid = lax.axis_index("s")
    wid = cid * NS + sid
    rows = (rows0, rows1, rows2)
    nb = (nb0, nb1, nb2)
    semr = (semr0, semr1, semr2)
    semng = (semng0, semng1, semng2)
    semsr = (semsr0, semsr1, semsr2)
    semsn = (semsn0, semsn1, semsn2)
    pltpu.sync_copy(zeros2_hbm, rawsh.at[pl.ds(sid * SLAB, SLAB)])
    pltpu.sync_copy(zeros1_hbm, tsh.at[pl.ds(sid * SLAB, SLAB)])
    pltpu.sync_copy(src_hbm.at[wid, 0], srcv.at[0])
    pltpu.sync_copy(dst_hbm.at[wid, 0], dstv.at[0])
    pltpu.sync_copy(src_hbm.at[wid, 1], srcv.at[1])
    pltpu.sync_copy(dst_hbm.at[wid, 1], dstv.at[1])
    pltpu.async_copy(src_hbm.at[wid, 2], srcv.at[2], semi)
    pltpu.async_copy(dst_hbm.at[wid, 2], dstv.at[2], semi)
    pltpu.async_copy(src_hbm.at[wid, 3], srcv.at[3], semi)
    pltpu.async_copy(dst_hbm.at[wid, 3], dstv.at[3], semi)
    plsc.subcore_barrier()
    pltpu.async_copy(yp_hbm.at[srcv.at[0]], rows0, semr0)
    pltpu.async_copy(norm_hbm.at[dstv.at[0]], nb0, semng0)
    pltpu.async_copy(yp_hbm.at[srcv.at[1]], rows1, semr1)
    pltpu.async_copy(norm_hbm.at[dstv.at[1]], nb1, semng1)

    def step(t_it, carry):
        for k in range(3):
            j = 3 * t_it + k
            km = (k + 2) % 3
            sj = lax.rem(j, IRING)
            s2 = lax.rem(j + 2, IRING)
            s4 = lax.rem(j + 4, IRING)
            pltpu.make_async_copy(yp_hbm.at[srcv.at[sj]], rows[k],
                                  semr[k]).wait()
            pltpu.async_copy(rows[k], rawsh.at[dstv.at[sj]], semsr[k],
                             add=True)
            pltpu.make_async_copy(norm_hbm.at[dstv.at[sj]], nb[k],
                                  semng[k]).wait()
            pltpu.async_copy(nb[k], tsh.at[srcv.at[sj]], semsn[k], add=True)

            @pl.when(j > 0)
            def _():
                pltpu.make_async_copy(rows[km], rawsh.at[dstv.at[sj]],
                                      semsr[km]).wait()
                pltpu.make_async_copy(nb[km], tsh.at[srcv.at[sj]],
                                      semsn[km]).wait()

            pltpu.async_copy(src_hbm.at[wid, j + 4], srcv.at[s4], semi)
            pltpu.async_copy(dst_hbm.at[wid, j + 4], dstv.at[s4], semi)
            for _ in range(2):
                pltpu.make_async_copy(src_hbm.at[wid, 0], srcv.at[s2],
                                      semi).wait()
            pltpu.async_copy(yp_hbm.at[srcv.at[s2]], rows[km], semr[km])
            pltpu.async_copy(norm_hbm.at[dstv.at[s2]], nb[km], semng[km])
        return carry

    lax.fori_loop(0, NCH_E // 3, step, 0)
    pltpu.make_async_copy(rows2, rawsh.at[dstv.at[0]], semsr2).wait()
    pltpu.make_async_copy(nb2, tsh.at[srcv.at[0]], semsn2).wait()
    pltpu.make_async_copy(yp_hbm.at[srcv.at[0]], rows0, semr0).wait()
    pltpu.make_async_copy(norm_hbm.at[dstv.at[0]], nb0, semng0).wait()
    pltpu.make_async_copy(yp_hbm.at[srcv.at[1]], rows1, semr1).wait()
    pltpu.make_async_copy(norm_hbm.at[dstv.at[1]], nb1, semng1).wait()
    for _ in range(4):
        pltpu.make_async_copy(src_hbm.at[wid, 0], srcv.at[0], semi).wait()
    plsc.subcore_barrier()
    pltpu.sync_copy(rawsh.at[pl.ds(sid * SLAB, SLAB)],
                    raw_hbm.at[cid, pl.ds(sid * SLAB, SLAB)])
    pltpu.sync_copy(tsh.at[pl.ds(sid * SLAB, SLAB)],
                    t_hbm.at[cid, pl.ds(sid * SLAB, SLAB)])


def _sc_aggregate(src3, dst3, yp, norm, zeros1, zeros2):
    return pl.kernel(
        _agg_body,
        out_type=(
            jax.ShapeDtypeStruct((NC, N_PAD, F), jnp.float32),
            jax.ShapeDtypeStruct((NC, N_PAD), jnp.float32),
        ),
        mesh=_sc_mesh(),
        scratch_types=[
            pltpu.VMEM((IRING, CH), jnp.int32),
            pltpu.VMEM((IRING, CH), jnp.int32),
            pltpu.VMEM((CH, F), jnp.float32),
            pltpu.VMEM((CH, F), jnp.float32),
            pltpu.VMEM((CH, F), jnp.float32),
            pltpu.VMEM((CH,), jnp.float32),
            pltpu.VMEM((CH,), jnp.float32),
            pltpu.VMEM((CH,), jnp.float32),
            pltpu.VMEM_SHARED((N_PAD, F), jnp.float32),
            pltpu.VMEM_SHARED((N_PAD,), jnp.float32),
        ] + [pltpu.SemaphoreType.DMA] * 13,
    )(src3, dst3, yp, norm, zeros1, zeros2)


BLK = 1024


def _prep_body(dega_ref, degb_ref, x_ref, w1_ref, yp_ref, norm_ref):
    deg = dega_ref[...] + degb_ref[...]
    norm = jnp.where(deg > 0.0, lax.rsqrt(deg), 0.0)
    y = jnp.dot(x_ref[...], w1_ref[...], preferred_element_type=jnp.float32)
    yp_ref[...] = y * norm
    norm_ref[...] = norm


def _tc_prep(dega, degb, x_pad, W1):
    grid = N_PAD // BLK
    return pl.pallas_call(
        _prep_body,
        grid=(grid,),
        in_specs=[
            pl.BlockSpec((BLK, 1), lambda i: (i, 0)),
            pl.BlockSpec((BLK, 1), lambda i: (i, 0)),
            pl.BlockSpec((BLK, F), lambda i: (i, 0)),
            pl.BlockSpec((F, F), lambda i: (0, 0)),
        ],
        out_specs=[
            pl.BlockSpec((BLK, F), lambda i: (i, 0)),
            pl.BlockSpec((BLK, 1), lambda i: (i, 0)),
        ],
        out_shape=[
            jax.ShapeDtypeStruct((N_PAD, F), jnp.float32),
            jax.ShapeDtypeStruct((N_PAD, 1), jnp.float32),
        ],
    )(dega, degb, x_pad, W1)


def _final_body(rawa_ref, rawb_ref, ta_ref, tb_ref, norm_ref, b1_ref,
                w2_ref, b2_ref, out_ref, acc_ref):
    i = pl.program_id(0)
    norm = norm_ref[...]
    h1 = jnp.maximum(norm * (rawa_ref[...] + rawb_ref[...]) + b1_ref[...], 0.0)
    s = norm * (ta_ref[...] + tb_ref[...])
    gid = i * BLK + lax.broadcasted_iota(jnp.int32, (BLK, 1), 0)
    s = jnp.where(gid < N, s, 0.0)
    contrib = jnp.sum(s * h1, axis=0, keepdims=True)

    @pl.when(i == 0)
    def _():
        acc_ref[...] = jnp.zeros_like(acc_ref)

    acc_ref[...] += contrib

    @pl.when(i == pl.num_programs(0) - 1)
    def _():
        v = acc_ref[...] * (1.0 / N)
        out_ref[...] = (
            jnp.dot(v, w2_ref[...], preferred_element_type=jnp.float32)
            + b2_ref[...]
        )


def _tc_final(rawa, rawb, ta, tb, norm, b1r, W2p, b2p):
    grid = N_PAD // BLK
    return pl.pallas_call(
        _final_body,
        grid=(grid,),
        in_specs=[
            pl.BlockSpec((BLK, F), lambda i: (i, 0)),
            pl.BlockSpec((BLK, F), lambda i: (i, 0)),
            pl.BlockSpec((BLK, 1), lambda i: (i, 0)),
            pl.BlockSpec((BLK, 1), lambda i: (i, 0)),
            pl.BlockSpec((BLK, 1), lambda i: (i, 0)),
            pl.BlockSpec((1, F), lambda i: (0, 0)),
            pl.BlockSpec((F, F), lambda i: (0, 0)),
            pl.BlockSpec((1, F), lambda i: (0, 0)),
        ],
        out_specs=pl.BlockSpec((1, F), lambda i: (0, 0)),
        out_shape=jax.ShapeDtypeStruct((1, F), jnp.float32),
        scratch_shapes=[pltpu.VMEM((1, F), jnp.float32)],
    )(rawa, rawb, ta, tb, norm, b1r, W2p, b2p)


def kernel(x, edge_index, W1, b1, W2, b2):
    src = edge_index[0].astype(jnp.int32)
    dst = edge_index[1].astype(jnp.int32)
    n_pad_edges = EPT_PAD - EPT
    pad_block = DUMMY + (
        (jnp.arange(n_pad_edges, dtype=jnp.int32)[None, :]
         + 97 * jnp.arange(NW, dtype=jnp.int32)[:, None]) % (N_PAD - N))
    src3 = jnp.concatenate([src.reshape(NW, EPT), pad_block], axis=1)
    src3 = src3.reshape(NW, NCH_A, CH)
    dst3 = jnp.concatenate([dst.reshape(NW, EPT), pad_block], axis=1)
    dst3 = dst3.reshape(NW, NCH_A, CH)
    x_pad = jnp.pad(x, ((0, N_PAD - N), (0, 0)))
    zeros1 = jnp.zeros((SLAB,), jnp.float32)
    zeros2 = jnp.zeros((SLAB, F), jnp.float32)

    deg = _sc_degree(dst3, zeros1)
    dega = deg[0].reshape(N_PAD, 1)
    degb = deg[1].reshape(N_PAD, 1)

    yp, norm_col = _tc_prep(dega, degb, x_pad, W1)
    norm_flat = norm_col.reshape(N_PAD)

    raw, t = _sc_aggregate(src3, dst3, yp, norm_flat, zeros1, zeros2)

    W2p = jnp.pad(W2, ((0, 0), (0, F - W2.shape[1])))
    b2p = jnp.pad(b2, (0, F - b2.shape[0])).reshape(1, F)
    out = _tc_final(raw[0], raw[1], t[0].reshape(N_PAD, 1),
                    t[1].reshape(N_PAD, 1), norm_col, b1.reshape(1, F),
                    W2p, b2p)
    return out[0, :NUM_OUT]

# --- scband reference (transcript-rebuilt; emitter-appended) ---
"""Pipeline reference for scband-sparse-gcn-58411555225956 (READ-ONLY COPY).

The authoritative reference and input builder live on the scoring server;
editing this copy changes nothing except your own understanding.
"""

import jax, jax.numpy as jnp
import numpy as np

N_NODES = 10000
N_EDGES = 320000
IN_FEATS = 128
H_FEATS = 128
NUM_CLASSES = 16


def setup_inputs(seed: int = 0) -> dict:
    key = jax.random.key(seed)
    k_x, k_e, k_w1, k_b1, k_w2, k_b2 = jax.random.split(key, 6)
    x = jax.random.normal(k_x, (N_NODES, IN_FEATS), dtype=jnp.float32)
    edge_index = jax.random.randint(k_e, (2, N_EDGES), 0, N_NODES, dtype=jnp.int64)
    W1 = jax.random.normal(k_w1, (IN_FEATS, H_FEATS), dtype=jnp.float32)
    b1 = jax.random.normal(k_b1, (H_FEATS,), dtype=jnp.float32)
    W2 = jax.random.normal(k_w2, (H_FEATS, NUM_CLASSES), dtype=jnp.float32)
    b2 = jax.random.normal(k_b2, (NUM_CLASSES,), dtype=jnp.float32)
    return {"x": x, "edge_index": edge_index, "W1": W1, "b1": b1, "W2": W2, "b2": b2}


def reference(x, edge_index, W1, b1, W2, b2):
    # Graph: edge (src -> dst). DGL adjacency_matrix has adj[dst, src] = 1,
    # so torch.sparse.mm(adj, feat) aggregates messages from src into dst.
    src = edge_index[0]
    dst = edge_index[1]
    n = x.shape[0]
    # g.ndata['norm'] is deg^{-1/2}; adj_normalized = diag(norm) @ adj @ diag(norm)
    deg = jnp.zeros((n,), dtype=x.dtype).at[dst].add(1.0)
    norm = jnp.where(deg > 0, deg ** -0.5, 0.0)
    coef = norm[src] * norm[dst]  # per-edge normalized adjacency entry

    def propagate(feat):
        msgs = feat[src] * coef[:, None]  # gather + scale
        return jnp.zeros((n, feat.shape[1]), dtype=feat.dtype).at[dst].add(msgs)  # scatter-add

    # conv1: sparse aggregate then dense matmul + bias
    h = propagate(x) @ W1 + b1
    h = jax.nn.relu(h)
    # conv2
    h = propagate(h) @ W2 + b2
    # dgl.mean_nodes over the single graph
    return jnp.mean(h, axis=0)

if __name__ == "__main__":
    import jax
    _d = setup_inputs()
    print(jax.jit(kernel)(*tuple(_d.values())))

</pallas_src>

<mosaic_0001>
#map = affine_map<(d0, d1) -> (0, 0, 0)>
#map1 = affine_map<(d0, d1) -> (0, 0)>
#map2 = affine_map<(d0, d1) -> (0)>
module attributes {stable_mosaic.version = 14 : i64} {
  func.func @_agg_body(%arg0: i32, %arg1: i32, %arg2: memref<32x109x96xi32, #tpu.memory_space<hbm>>, %arg3: memref<32x109x96xi32, #tpu.memory_space<hbm>>, %arg4: memref<10240x128xf32, #tpu.memory_space<hbm>>, %arg5: memref<10240xf32, #tpu.memory_space<hbm>>, %arg6: memref<640xf32, #tpu.memory_space<hbm>>, %arg7: memref<640x128xf32, #tpu.memory_space<hbm>>, %arg8: memref<2x10240x128xf32, #tpu.memory_space<hbm>>, %arg9: memref<2x10240xf32, #tpu.memory_space<hbm>>, %arg10: memref<8x96xi32, #tpu.memory_space<vmem>>, %arg11: memref<8x96xi32, #tpu.memory_space<vmem>>, %arg12: memref<96x128xf32, #tpu.memory_space<vmem>>, %arg13: memref<96x128xf32, #tpu.memory_space<vmem>>, %arg14: memref<96x128xf32, #tpu.memory_space<vmem>>, %arg15: memref<96xf32, #tpu.memory_space<vmem>>, %arg16: memref<96xf32, #tpu.memory_space<vmem>>, %arg17: memref<96xf32, #tpu.memory_space<vmem>>, %arg18: memref<10240x128xf32, #tpu.memory_space<vmem_shared>>, %arg19: memref<10240xf32, #tpu.memory_space<vmem_shared>>, %arg20: memref<!tpu.dma_semaphore, #tpu.memory_space<semaphore_mem>>, %arg21: memref<!tpu.dma_semaphore, #tpu.memory_space<semaphore_mem>>, %arg22: memref<!tpu.dma_semaphore, #tpu.memory_space<semaphore_mem>>, %arg23: memref<!tpu.dma_semaphore, #tpu.memory_space<semaphore_mem>>, %arg24: memref<!tpu.dma_semaphore, #tpu.memory_space<semaphore_mem>>, %arg25: memref<!tpu.dma_semaphore, #tpu.memory_space<semaphore_mem>>, %arg26: memref<!tpu.dma_semaphore, #tpu.memory_space<semaphore_mem>>, %arg27: memref<!tpu.dma_semaphore, #tpu.memory_space<semaphore_mem>>, %arg28: memref<!tpu.dma_semaphore, #tpu.memory_space<semaphore_mem>>, %arg29: memref<!tpu.dma_semaphore, #tpu.memory_space<semaphore_mem>>, %arg30: memref<!tpu.dma_semaphore, #tpu.memory_space<semaphore_mem>>, %arg31: memref<!tpu.dma_semaphore, #tpu.memory_space<semaphore_mem>>, %arg32: memref<!tpu.dma_semaphore, #tpu.memory_space<semaphore_mem>>) attributes {dimension_semantics = [#tpu.dimension_semantics<core_parallel>, #tpu.dimension_semantics<subcore_parallel>], iteration_bounds = array<i64: 2, 16>, scalar_prefetch = 0 : i64, scratch_operands = 23 : i64, tpu.core_type = #tpu.core_type<sc_vector_subcore>, window_params = [{transform_indices = #map}, {transform_indices = #map}, {transform_indices = #map1}, {transform_indices = #map2}, {transform_indices = #map2}, {transform_indices = #map1}, {transform_indices = #map}, {transform_indices = #map1}]} {
    %mul3A = arith.constant 16 : i32
    %mul3A_0 = arith.muli %arg0, %mul3A : i32
    %add3A = arith.addi %mul3A_0, %arg1 : i32
    %mul3A_1 = arith.constant 640 : i32
    %mul3A_2 = arith.muli %arg1, %mul3A_1 : i32
    "tpu.region"() ({
      %run_scoped3A_201 = tpu.sem_alloc : memref<!tpu.dma_semaphore, #tpu.memory_space<semaphore_mem>>
      %dma_start3A_202 = arith.constant 0 : i32
      %dma_start3A_203 = tpu.memref_slice %arg18[%mul3A_2, %dma_start3A_202] : memref<10240x128xf32, #tpu.memory_space<vmem_shared>> -> memref<640x128xf32, #tpu.memory_space<vmem_shared>>
      tpu.enqueue_dma source(%arg7 : memref<640x128xf32, #tpu.memory_space<hbm>>) target(%dma_start3A_203 : memref<640x128xf32, #tpu.memory_space<vmem_shared>>) target_semaphore(%run_scoped3A_201 : memref<!tpu.dma_semaphore, #tpu.memory_space<semaphore_mem>>)
      %dma_wait3A_204 = arith.constant 0 : i32
      %dma_wait3A_205 = tpu.memref_slice %arg18[%mul3A_2, %dma_wait3A_204] : memref<10240x128xf32, #tpu.memory_space<vmem_shared>> -> memref<640x128xf32, #tpu.memory_space<vmem_shared>>
      tpu.wait_dma2 semaphore(%run_scoped3A_201 : memref<!tpu.dma_semaphore, #tpu.memory_space<semaphore_mem>>) src(%arg7 : memref<640x128xf32, #tpu.memory_space<hbm>>) dst(%dma_wait3A_205 : memref<640x128xf32, #tpu.memory_space<vmem_shared>>)
      tpu.yield
    }) : () -> ()
    %mul3A_3 = arith.constant 640 : i32
    %mul3A_4 = arith.muli %arg1, %mul3A_3 : i32
    "tpu.region"() ({
      %run_scoped3A_201 = tpu.sem_alloc : memref<!tpu.dma_semaphore, #tpu.memory_space<semaphore_mem>>
      %dma_start3A_202 = tpu.memref_slice %arg19[%mul3A_4] : memref<10240xf32, #tpu.memory_space<vmem_shared>> -> memref<640xf32, #tpu.memory_space<vmem_shared>>
      tpu.enqueue_dma source(%arg6 : memref<640xf32, #tpu.memory_space<hbm>>) target(%dma_start3A_202 : memref<640xf32, #tpu.memory_space<vmem_shared>>) target_semaphore(%run_scoped3A_201 : memref<!tpu.dma_semaphore, #tpu.memory_space<semaphore_mem>>)
      %dma_wait3A_203 = tpu.memref_slice %arg19[%mul3A_4] : memref<10240xf32, #tpu.memory_space<vmem_shared>> -> memref<640xf32, #tpu.memory_space<vmem_shared>>
      tpu.wait_dma2 semaphore(%run_scoped3A_201 : memref<!tpu.dma_semaphore, #tpu.memory_space<semaphore_mem>>) src(%arg6 : memref<640xf32, #tpu.memory_space<hbm>>) dst(%dma_wait3A_203 : memref<640xf32, #tpu.memory_space<vmem_shared>>)
      tpu.yield
    }) : () -> ()
    %run_scoped3A = arith.constant 0 : i32
    %run_scoped3A_5 = arith.constant 0 : i32
    "tpu.region"() ({
      %run_scoped3A_201 = tpu.sem_alloc : memref<!tpu.dma_semaphore, #tpu.memory_space<semaphore_mem>>
      %dma_start3A_202 = arith.constant 0 : i32
      %dma_start3A_203 = tpu.memref_slice %arg10[%run_scoped3A_5, %dma_start3A_202] : memref<8x96xi32, #tpu.memory_space<vmem>> -> memref<1x96xi32, #tpu.memory_space<vmem>>
      %dma_start3A_204 = tpu.memref_squeeze %dma_start3A_203 : memref<1x96xi32, #tpu.memory_space<vmem>> -> memref<96xi32, #tpu.memory_space<vmem>>
      %dma_start3A_205 = arith.constant 0 : i32
      %dma_start3A_206 = tpu.memref_slice %arg2[%add3A, %run_scoped3A, %dma_start3A_205] : memref<32x109x96xi32, #tpu.memory_space<hbm>> -> memref<1x1x96xi32, #tpu.memory_space<hbm>>
      %dma_start3A_207 = tpu.memref_squeeze %dma_start3A_206 : memref<1x1x96xi32, #tpu.memory_space<hbm>> -> memref<96xi32, #tpu.memory_space<hbm>>
      %dma_start3A_208 = arith.constant 0 : i32
      %dma_start3A_209 = tpu.memref_slice %arg10[%run_scoped3A_5, %dma_start3A_208] : memref<8x96xi32, #tpu.memory_space<vmem>> -> memref<1x96xi32, #tpu.memory_space<vmem>>
      %dma_start3A_210 = tpu.memref_squeeze %dma_start3A_209 : memref<1x96xi32, #tpu.memory_space<vmem>> -> memref<96xi32, #tpu.memory_space<vmem>>
      %dma_start3A_211 = arith.constant 0 : i32
      %dma_start3A_212 = tpu.memref_slice %arg2[%add3A, %run_scoped3A, %dma_start3A_211] : memref<32x109x96xi32, #tpu.memory_space<hbm>> -> memref<1x1x96xi32, #tpu.memory_space<hbm>>
      %dma_start3A_213 = tpu.memref_squeeze %dma_start3A_212 : memref<1x1x96xi32, #tpu.memory_space<hbm>> -> memref<96xi32, #tpu.memory_space<hbm>>
      tpu.enqueue_dma source(%dma_start3A_213 : memref<96xi32, #tpu.memory_space<hbm>>) target(%dma_start3A_210 : memref<96xi32, #tpu.memory_space<vmem>>) target_semaphore(%run_scoped3A_201 : memref<!tpu.dma_semaphore, #tpu.memory_space<semaphore_mem>>)
      %dma_wait3A_214 = arith.constant 0 : i32
      %dma_wait3A_215 = tpu.memref_slice %arg10[%run_scoped3A_5, %dma_wait3A_214] : memref<8x96xi32, #tpu.memory_space<vmem>> -> memref<1x96xi32, #tpu.memory_space<vmem>>
      %dma_wait3A_216 = tpu.memref_squeeze %dma_wait3A_215 : memref<1x96xi32, #tpu.memory_space<vmem>> -> memref<96xi32, #tpu.memory_space<vmem>>
      %dma_wait3A_217 = arith.constant 0 : i32
      %dma_wait3A_218 = tpu.memref_slice %arg2[%add3A, %run_scoped3A, %dma_wait3A_217] : memref<32x109x96xi32, #tpu.memory_space<hbm>> -> memref<1x1x96xi32, #tpu.memory_space<hbm>>
      %dma_wait3A_219 = tpu.memref_squeeze %dma_wait3A_218 : memref<1x1x96xi32, #tpu.memory_space<hbm>> -> memref<96xi32, #tpu.memory_space<hbm>>
      %dma_wait3A_220 = arith.constant 0 : i32
      %dma_wait3A_221 = tpu.memref_slice %arg10[%run_scoped3A_5, %dma_wait3A_220] : memref<8x96xi32, #tpu.memory_space<vmem>> -> memref<1x96xi32, #tpu.memory_space<vmem>>
      %dma_wait3A_222 = tpu.memref_squeeze %dma_wait3A_221 : memref<1x96xi32, #tpu.memory_space<vmem>> -> memref<96xi32, #tpu.memory_space<vmem>>
      %dma_wait3A_223 = arith.constant 0 : i32
      %dma_wait3A_224 = tpu.memref_slice %arg2[%add3A, %run_scoped3A, %dma_wait3A_223] : memref<32x109x96xi32, #tpu.memory_space<hbm>> -> memref<1x1x96xi32, #tpu.memory_space<hbm>>
      %dma_wait3A_225 = tpu.memref_squeeze %dma_wait3A_224 : memref<1x1x96xi32, #tpu.memory_space<hbm>> -> memref<96xi32, #tpu.memory_space<hbm>>
      tpu.wait_dma2 semaphore(%run_scoped3A_201 : memref<!tpu.dma_semaphore, #tpu.memory_space<semaphore_mem>>) src(%dma_wait3A_225 : memref<96xi32, #tpu.memory_space<hbm>>) dst(%dma_wait3A_222 : memref<96xi32, #tpu.memory_space<vmem>>)
      tpu.yield
    }) : () -> ()
    %run_scoped3A_6 = arith.constant 0 : i32
    %run_scoped3A_7 = arith.constant 0 : i32
    "tpu.region"() ({
      %run_scoped3A_201 = tpu.sem_alloc : memref<!tpu.dma_semaphore, #tpu.memory_space<semaphore_mem>>
      %dma_start3A_202 = arith.constant 0 : i32
      %dma_start3A_203 = tpu.memref_slice %arg11[%run_scoped3A_7, %dma_start3A_202] : memref<8x96xi32, #tpu.memory_space<vmem>> -> memref<1x96xi32, #tpu.memory_space<vmem>>
      %dma_start3A_204 = tpu.memref_squeeze %dma_start3A_203 : memref<1x96xi32, #tpu.memory_space<vmem>> -> memref<96xi32, #tpu.memory_space<vmem>>
      %dma_start3A_205 = arith.constant 0 : i32
      %dma_start3A_206 = tpu.memref_slice %arg3[%add3A, %run_scoped3A_6, %dma_start3A_205] : memref<32x109x96xi32, #tpu.memory_space<hbm>> -> memref<1x1x96xi32, #tpu.memory_space<hbm>>
      %dma_start3A_207 = tpu.memref_squeeze %dma_start3A_206 : memref<1x1x96xi32, #tpu.memory_space<hbm>> -> memref<96xi32, #tpu.memory_space<hbm>>
      %dma_start3A_208 = arith.constant 0 : i32
      %dma_start3A_209 = tpu.memref_slice %arg11[%run_scoped3A_7, %dma_start3A_208] : memref<8x96xi32, #tpu.memory_space<vmem>> -> memref<1x96xi32, #tpu.memory_space<vmem>>
      %dma_start3A_210 = tpu.memref_squeeze %dma_start3A_209 : memref<1x96xi32, #tpu.memory_space<vmem>> -> memref<96xi32, #tpu.memory_space<vmem>>
      %dma_start3A_211 = arith.constant 0 : i32
      %dma_start3A_212 = tpu.memref_slice %arg3[%add3A, %run_scoped3A_6, %dma_start3A_211] : memref<32x109x96xi32, #tpu.memory_space<hbm>> -> memref<1x1x96xi32, #tpu.memory_space<hbm>>
      %dma_start3A_213 = tpu.memref_squeeze %dma_start3A_212 : memref<1x1x96xi32, #tpu.memory_space<hbm>> -> memref<96xi32, #tpu.memory_space<hbm>>
      tpu.enqueue_dma source(%dma_start3A_213 : memref<96xi32, #tpu.memory_space<hbm>>) target(%dma_start3A_210 : memref<96xi32, #tpu.memory_space<vmem>>) target_semaphore(%run_scoped3A_201 : memref<!tpu.dma_semaphore, #tpu.memory_space<semaphore_mem>>)
      %dma_wait3A_214 = arith.constant 0 : i32
      %dma_wait3A_215 = tpu.memref_slice %arg11[%run_scoped3A_7, %dma_wait3A_214] : memref<8x96xi32, #tpu.memory_space<vmem>> -> memref<1x96xi32, #tpu.memory_space<vmem>>
      %dma_wait3A_216 = tpu.memref_squeeze %dma_wait3A_215 : memref<1x96xi32, #tpu.memory_space<vmem>> -> memref<96xi32, #tpu.memory_space<vmem>>
      %dma_wait3A_217 = arith.constant 0 : i32
      %dma_wait3A_218 = tpu.memref_slice %arg3[%add3A, %run_scoped3A_6, %dma_wait3A_217] : memref<32x109x96xi32, #tpu.memory_space<hbm>> -> memref<1x1x96xi32, #tpu.memory_space<hbm>>
      %dma_wait3A_219 = tpu.memref_squeeze %dma_wait3A_218 : memref<1x1x96xi32, #tpu.memory_space<hbm>> -> memref<96xi32, #tpu.memory_space<hbm>>
      %dma_wait3A_220 = arith.constant 0 : i32
      %dma_wait3A_221 = tpu.memref_slice %arg11[%run_scoped3A_7, %dma_wait3A_220] : memref<8x96xi32, #tpu.memory_space<vmem>> -> memref<1x96xi32, #tpu.memory_space<vmem>>
      %dma_wait3A_222 = tpu.memref_squeeze %dma_wait3A_221 : memref<1x96xi32, #tpu.memory_space<vmem>> -> memref<96xi32, #tpu.memory_space<vmem>>
      %dma_wait3A_223 = arith.constant 0 : i32
      %dma_wait3A_224 = tpu.memref_slice %arg3[%add3A, %run_scoped3A_6, %dma_wait3A_223] : memref<32x109x96xi32, #tpu.memory_space<hbm>> -> memref<1x1x96xi32, #tpu.memory_space<hbm>>
      %dma_wait3A_225 = tpu.memref_squeeze %dma_wait3A_224 : memref<1x1x96xi32, #tpu.memory_space<hbm>> -> memref<96xi32, #tpu.memory_space<hbm>>
      tpu.wait_dma2 semaphore(%run_scoped3A_201 : memref<!tpu.dma_semaphore, #tpu.memory_space<semaphore_mem>>) src(%dma_wait3A_225 : memref<96xi32, #tpu.memory_space<hbm>>) dst(%dma_wait3A_222 : memref<96xi32, #tpu.memory_space<vmem>>)
      tpu.yield
    }) : () -> ()
    %run_scoped3A_8 = arith.constant 1 : i32
    %run_scoped3A_9 = arith.constant 1 : i32
    "tpu.region"() ({
      %run_scoped3A_201 = tpu.sem_alloc : memref<!tpu.dma_semaphore, #tpu.memory_space<semaphore_mem>>
      %dma_start3A_202 = arith.constant 0 : i32
      %dma_start3A_203 = tpu.memref_slice %arg10[%run_scoped3A_9, %dma_start3A_202] : memref<8x96xi32, #tpu.memory_space<vmem>> -> memref<1x96xi32, #tpu.memory_space<vmem>>
      %dma_start3A_204 = tpu.memref_squeeze %dma_start3A_203 : memref<1x96xi32, #tpu.memory_space<vmem>> -> memref<96xi32, #tpu.memory_space<vmem>>
      %dma_start3A_205 = arith.constant 0 : i32
      %dma_start3A_206 = tpu.memref_slice %arg2[%add3A, %run_scoped3A_8, %dma_start3A_205] : memref<32x109x96xi32, #tpu.memory_space<hbm>> -> memref<1x1x96xi32, #tpu.memory_space<hbm>>
      %dma_start3A_207 = tpu.memref_squeeze %dma_start3A_206 : memref<1x1x96xi32, #tpu.memory_space<hbm>> -> memref<96xi32, #tpu.memory_space<hbm>>
      %dma_start3A_208 = arith.constant 0 : i32
      %dma_start3A_209 = tpu.memref_slice %arg10[%run_scoped3A_9, %dma_start3A_208] : memref<8x96xi32, #tpu.memory_space<vmem>> -> memref<1x96xi32, #tpu.memory_space<vmem>>
      %dma_start3A_210 = tpu.memref_squeeze %dma_start3A_209 : memref<1x96xi32, #tpu.memory_space<vmem>> -> memref<96xi32, #tpu.memory_space<vmem>>
      %dma_start3A_211 = arith.constant 0 : i32
      %dma_start3A_212 = tpu.memref_slice %arg2[%add3A, %run_scoped3A_8, %dma_start3A_211] : memref<32x109x96xi32, #tpu.memory_space<hbm>> -> memref<1x1x96xi32, #tpu.memory_space<hbm>>
      %dma_start3A_213 = tpu.memref_squeeze %dma_start3A_212 : memref<1x1x96xi32, #tpu.memory_space<hbm>> -> memref<96xi32, #tpu.memory_space<hbm>>
      tpu.enqueue_dma source(%dma_start3A_213 : memref<96xi32, #tpu.memory_space<hbm>>) target(%dma_start3A_210 : memref<96xi32, #tpu.memory_space<vmem>>) target_semaphore(%run_scoped3A_201 : memref<!tpu.dma_semaphore, #tpu.memory_space<semaphore_mem>>)
      %dma_wait3A_214 = arith.constant 0 : i32
      %dma_wait3A_215 = tpu.memref_slice %arg10[%run_scoped3A_9, %dma_wait3A_214] : memref<8x96xi32, #tpu.memory_space<vmem>> -> memref<1x96xi32, #tpu.memory_space<vmem>>
      %dma_wait3A_216 = tpu.memref_squeeze %dma_wait3A_215 : memref<1x96xi32, #tpu.memory_space<vmem>> -> memref<96xi32, #tpu.memory_space<vmem>>
      %dma_wait3A_217 = arith.constant 0 : i32
      %dma_wait3A_218 = tpu.memref_slice %arg2[%add3A, %run_scoped3A_8, %dma_wait3A_217] : memref<32x109x96xi32, #tpu.memory_space<hbm>> -> memref<1x1x96xi32, #tpu.memory_space<hbm>>
      %dma_wait3A_219 = tpu.memref_squeeze %dma_wait3A_218 : memref<1x1x96xi32, #tpu.memory_space<hbm>> -> memref<96xi32, #tpu.memory_space<hbm>>
      %dma_wait3A_220 = arith.constant 0 : i32
      %dma_wait3A_221 = tpu.memref_slice %arg10[%run_scoped3A_9, %dma_wait3A_220] : memref<8x96xi32, #tpu.memory_space<vmem>> -> memref<1x96xi32, #tpu.memory_space<vmem>>
      %dma_wait3A_222 = tpu.memref_squeeze %dma_wait3A_221 : memref<1x96xi32, #tpu.memory_space<vmem>> -> memref<96xi32, #tpu.memory_space<vmem>>
      %dma_wait3A_223 = arith.constant 0 : i32
      %dma_wait3A_224 = tpu.memref_slice %arg2[%add3A, %run_scoped3A_8, %dma_wait3A_223] : memref<32x109x96xi32, #tpu.memory_space<hbm>> -> memref<1x1x96xi32, #tpu.memory_space<hbm>>
      %dma_wait3A_225 = tpu.memref_squeeze %dma_wait3A_224 : memref<1x1x96xi32, #tpu.memory_space<hbm>> -> memref<96xi32, #tpu.memory_space<hbm>>
      tpu.wait_dma2 semaphore(%run_scoped3A_201 : memref<!tpu.dma_semaphore, #tpu.memory_space<semaphore_mem>>) src(%dma_wait3A_225 : memref<96xi32, #tpu.memory_space<hbm>>) dst(%dma_wait3A_222 : memref<96xi32, #tpu.memory_space<vmem>>)
      tpu.yield
    }) : () -> ()
    %run_scoped3A_10 = arith.constant 1 : i32
    %run_scoped3A_11 = arith.constant 1 : i32
    "tpu.region"() ({
      %run_scoped3A_201 = tpu.sem_alloc : memref<!tpu.dma_semaphore, #tpu.memory_space<semaphore_mem>>
      %dma_start3A_202 = arith.constant 0 : i32
      %dma_start3A_203 = tpu.memref_slice %arg11[%run_scoped3A_11, %dma_start3A_202] : memref<8x96xi32, #tpu.memory_space<vmem>> -> memref<1x96xi32, #tpu.memory_space<vmem>>
      %dma_start3A_204 = tpu.memref_squeeze %dma_start3A_203 : memref<1x96xi32, #tpu.memory_space<vmem>> -> memref<96xi32, #tpu.memory_space<vmem>>
      %dma_start3A_205 = arith.constant 0 : i32
      %dma_start3A_206 = tpu.memref_slice %arg3[%add3A, %run_scoped3A_10, %dma_start3A_205] : memref<32x109x96xi32, #tpu.memory_space<hbm>> -> memref<1x1x96xi32, #tpu.memory_space<hbm>>
      %dma_start3A_207 = tpu.memref_squeeze %dma_start3A_206 : memref<1x1x96xi32, #tpu.memory_space<hbm>> -> memref<96xi32, #tpu.memory_space<hbm>>
      %dma_start3A_208 = arith.constant 0 : i32
      %dma_start3A_209 = tpu.memref_slice %arg11[%run_scoped3A_11, %dma_start3A_208] : memref<8x96xi32, #tpu.memory_space<vmem>> -> memref<1x96xi32, #tpu.memory_space<vmem>>
      %dma_start3A_210 = tpu.memref_squeeze %dma_start3A_209 : memref<1x96xi32, #tpu.memory_space<vmem>> -> memref<96xi32, #tpu.memory_space<vmem>>
      %dma_start3A_211 = arith.constant 0 : i32
      %dma_start3A_212 = tpu.memref_slice %arg3[%add3A, %run_scoped3A_10, %dma_start3A_211] : memref<32x109x96xi32, #tpu.memory_space<hbm>> -> memref<1x1x96xi32, #tpu.memory_space<hbm>>
      %dma_start3A_213 = tpu.memref_squeeze %dma_start3A_212 : memref<1x1x96xi32, #tpu.memory_space<hbm>> -> memref<96xi32, #tpu.memory_space<hbm>>
      tpu.enqueue_dma source(%dma_start3A_213 : memref<96xi32, #tpu.memory_space<hbm>>) target(%dma_start3A_210 : memref<96xi32, #tpu.memory_space<vmem>>) target_semaphore(%run_scoped3A_201 : memref<!tpu.dma_semaphore, #tpu.memory_space<semaphore_mem>>)
      %dma_wait3A_214 = arith.constant 0 : i32
      %dma_wait3A_215 = tpu.memref_slice %arg11[%run_scoped3A_11, %dma_wait3A_214] : memref<8x96xi32, #tpu.memory_space<vmem>> -> memref<1x96xi32, #tpu.memory_space<vmem>>
      %dma_wait3A_216 = tpu.memref_squeeze %dma_wait3A_215 : memref<1x96xi32, #tpu.memory_space<vmem>> -> memref<96xi32, #tpu.memory_space<vmem>>
      %dma_wait3A_217 = arith.constant 0 : i32
      %dma_wait3A_218 = tpu.memref_slice %arg3[%add3A, %run_scoped3A_10, %dma_wait3A_217] : memref<32x109x96xi32, #tpu.memory_space<hbm>> -> memref<1x1x96xi32, #tpu.memory_space<hbm>>
      %dma_wait3A_219 = tpu.memref_squeeze %dma_wait3A_218 : memref<1x1x96xi32, #tpu.memory_space<hbm>> -> memref<96xi32, #tpu.memory_space<hbm>>
      %dma_wait3A_220 = arith.constant 0 : i32
      %dma_wait3A_221 = tpu.memref_slice %arg11[%run_scoped3A_11, %dma_wait3A_220] : memref<8x96xi32, #tpu.memory_space<vmem>> -> memref<1x96xi32, #tpu.memory_space<vmem>>
      %dma_wait3A_222 = tpu.memref_squeeze %dma_wait3A_221 : memref<1x96xi32, #tpu.memory_space<vmem>> -> memref<96xi32, #tpu.memory_space<vmem>>
      %dma_wait3A_223 = arith.constant 0 : i32
      %dma_wait3A_224 = tpu.memref_slice %arg3[%add3A, %run_scoped3A_10, %dma_wait3A_223] : memref<32x109x96xi32, #tpu.memory_space<hbm>> -> memref<1x1x96xi32, #tpu.memory_space<hbm>>
      %dma_wait3A_225 = tpu.memref_squeeze %dma_wait3A_224 : memref<1x1x96xi32, #tpu.memory_space<hbm>> -> memref<96xi32, #tpu.memory_space<hbm>>
      tpu.wait_dma2 semaphore(%run_scoped3A_201 : memref<!tpu.dma_semaphore, #tpu.memory_space<semaphore_mem>>) src(%dma_wait3A_225 : memref<96xi32, #tpu.memory_space<hbm>>) dst(%dma_wait3A_222 : memref<96xi32, #tpu.memory_space<vmem>>)
      tpu.yield
    }) : () -> ()
    %dma_start3A = arith.constant 2 : i32
    %dma_start3A_12 = arith.constant 2 : i32
    %dma_start3A_13 = arith.constant 0 : i32
    %dma_start3A_14 = tpu.memref_slice %arg10[%dma_start3A_12, %dma_start3A_13] : memref<8x96xi32, #tpu.memory_space<vmem>> -> memref<1x96xi32, #tpu.memory_space<vmem>>
    %dma_start3A_15 = tpu.memref_squeeze %dma_start3A_14 : memref<1x96xi32, #tpu.memory_space<vmem>> -> memref<96xi32, #tpu.memory_space<vmem>>
    %dma_start3A_16 = arith.constant 0 : i32
    %dma_start3A_17 = tpu.memref_slice %arg2[%add3A, %dma_start3A, %dma_start3A_16] : memref<32x109x96xi32, #tpu.memory_space<hbm>> -> memref<1x1x96xi32, #tpu.memory_space<hbm>>
    %dma_start3A_18 = tpu.memref_squeeze %dma_start3A_17 : memref<1x1x96xi32, #tpu.memory_space<hbm>> -> memref<96xi32, #tpu.memory_space<hbm>>
    %dma_start3A_19 = arith.constant 0 : i32
    %dma_start3A_20 = tpu.memref_slice %arg10[%dma_start3A_12, %dma_start3A_19] : memref<8x96xi32, #tpu.memory_space<vmem>> -> memref<1x96xi32, #tpu.memory_space<vmem>>
    %dma_start3A_21 = tpu.memref_squeeze %dma_start3A_20 : memref<1x96xi32, #tpu.memory_space<vmem>> -> memref<96xi32, #tpu.memory_space<vmem>>
    %dma_start3A_22 = arith.constant 0 : i32
    %dma_start3A_23 = tpu.memref_slice %arg2[%add3A, %dma_start3A, %dma_start3A_22] : memref<32x109x96xi32, #tpu.memory_space<hbm>> -> memref<1x1x96xi32, #tpu.memory_space<hbm>>
    %dma_start3A_24 = tpu.memref_squeeze %dma_start3A_23 : memref<1x1x96xi32, #tpu.memory_space<hbm>> -> memref<96xi32, #tpu.memory_space<hbm>>
    tpu.enqueue_dma source(%dma_start3A_24 : memref<96xi32, #tpu.memory_space<hbm>>) target(%dma_start3A_21 : memref<96xi32, #tpu.memory_space<vmem>>) target_semaphore(%arg20 : memref<!tpu.dma_semaphore, #tpu.memory_space<semaphore_mem>>)
    %dma_start3A_25 = arith.constant 2 : i32
    %dma_start3A_26 = arith.constant 2 : i32
    %dma_start3A_27 = arith.constant 0 : i32
    %dma_start3A_28 = tpu.memref_slice %arg11[%dma_start3A_26, %dma_start3A_27] : memref<8x96xi32, #tpu.memory_space<vmem>> -> memref<1x96xi32, #tpu.memory_space<vmem>>
    %dma_start3A_29 = tpu.memref_squeeze %dma_start3A_28 : memref<1x96xi32, #tpu.memory_space<vmem>> -> memref<96xi32, #tpu.memory_space<vmem>>
    %dma_start3A_30 = arith.constant 0 : i32
    %dma_start3A_31 = tpu.memref_slice %arg3[%add3A, %dma_start3A_25, %dma_start3A_30] : memref<32x109x96xi32, #tpu.memory_space<hbm>> -> memref<1x1x96xi32, #tpu.memory_space<hbm>>
    %dma_start3A_32 = tpu.memref_squeeze %dma_start3A_31 : memref<1x1x96xi32, #tpu.memory_space<hbm>> -> memref<96xi32, #tpu.memory_space<hbm>>
    %dma_start3A_33 = arith.constant 0 : i32
    %dma_start3A_34 = tpu.memref_slice %arg11[%dma_start3A_26, %dma_start3A_33] : memref<8x96xi32, #tpu.memory_space<vmem>> -> memref<1x96xi32, #tpu.memory_space<vmem>>
    %dma_start3A_35 = tpu.memref_squeeze %dma_start3A_34 : memref<1x96xi32, #tpu.memory_space<vmem>> -> memref<96xi32, #tpu.memory_space<vmem>>
    %dma_start3A_36 = arith.constant 0 : i32
    %dma_start3A_37 = tpu.memref_slice %arg3[%add3A, %dma_start3A_25, %dma_start3A_36] : memref<32x109x96xi32, #tpu.memory_space<hbm>> -> memref<1x1x96xi32, #tpu.memory_space<hbm>>
    %dma_start3A_38 = tpu.memref_squeeze %dma_start3A_37 : memref<1x1x96xi32, #tpu.memory_space<hbm>> -> memref<96xi32, #tpu.memory_space<hbm>>
    tpu.enqueue_dma source(%dma_start3A_38 : memref<96xi32, #tpu.memory_space<hbm>>) target(%dma_start3A_35 : memref<96xi32, #tpu.memory_space<vmem>>) target_semaphore(%arg20 : memref<!tpu.dma_semaphore, #tpu.memory_space<semaphore_mem>>)
    %dma_start3A_39 = arith.constant 3 : i32
    %dma_start3A_40 = arith.constant 3 : i32
    %dma_start3A_41 = arith.constant 0 : i32
    %dma_start3A_42 = tpu.memref_slice %arg10[%dma_start3A_40, %dma_start3A_41] : memref<8x96xi32, #tpu.memory_space<vmem>> -> memref<1x96xi32, #tpu.memory_space<vmem>>
    %dma_start3A_43 = tpu.memref_squeeze %dma_start3A_42 : memref<1x96xi32, #tpu.memory_space<vmem>> -> memref<96xi32, #tpu.memory_space<vmem>>
    %dma_start3A_44 = arith.constant 0 : i32
    %dma_start3A_45 = tpu.memref_slice %arg2[%add3A, %dma_start3A_39, %dma_start3A_44] : memref<32x109x96xi32, #tpu.memory_space<hbm>> -> memref<1x1x96xi32, #tpu.memory_space<hbm>>
    %dma_start3A_46 = tpu.memref_squeeze %dma_start3A_45 : memref<1x1x96xi32, #tpu.memory_space<hbm>> -> memref<96xi32, #tpu.memory_space<hbm>>
    %dma_start3A_47 = arith.constant 0 : i32
    %dma_start3A_48 = tpu.memref_slice %arg10[%dma_start3A_40, %dma_start3A_47] : memref<8x96xi32, #tpu.memory_space<vmem>> -> memref<1x96xi32, #tpu.memory_space<vmem>>
    %dma_start3A_49 = tpu.memref_squeeze %dma_start3A_48 : memref<1x96xi32, #tpu.memory_space<vmem>> -> memref<96xi32, #tpu.memory_space<vmem>>
    %dma_start3A_50 = arith.constant 0 : i32
    %dma_start3A_51 = tpu.memref_slice %arg2[%add3A, %dma_start3A_39, %dma_start3A_50] : memref<32x109x96xi32, #tpu.memory_space<hbm>> -> memref<1x1x96xi32, #tpu.memory_space<hbm>>
    %dma_start3A_52 = tpu.memref_squeeze %dma_start3A_51 : memref<1x1x96xi32, #tpu.memory_space<hbm>> -> memref<96xi32, #tpu.memory_space<hbm>>
    tpu.enqueue_dma source(%dma_start3A_52 : memref<96xi32, #tpu.memory_space<hbm>>) target(%dma_start3A_49 : memref<96xi32, #tpu.memory_space<vmem>>) target_semaphore(%arg20 : memref<!tpu.dma_semaphore, #tpu.memory_space<semaphore_mem>>)
    %dma_start3A_53 = arith.constant 3 : i32
    %dma_start3A_54 = arith.constant 3 : i32
    %dma_start3A_55 = arith.constant 0 : i32
    %dma_start3A_56 = tpu.memref_slice %arg11[%dma_start3A_54, %dma_start3A_55] : memref<8x96xi32, #tpu.memory_space<vmem>> -> memref<1x96xi32, #tpu.memory_space<vmem>>
    %dma_start3A_57 = tpu.memref_squeeze %dma_start3A_56 : memref<1x96xi32, #tpu.memory_space<vmem>> -> memref<96xi32, #tpu.memory_space<vmem>>
    %dma_start3A_58 = arith.constant 0 : i32
    %dma_start3A_59 = tpu.memref_slice %arg3[%add3A, %dma_start3A_53, %dma_start3A_58] : memref<32x109x96xi32, #tpu.memory_space<hbm>> -> memref<1x1x96xi32, #tpu.memory_space<hbm>>
    %dma_start3A_60 = tpu.memref_squeeze %dma_start3A_59 : memref<1x1x96xi32, #tpu.memory_space<hbm>> -> memref<96xi32, #tpu.memory_space<hbm>>
    %dma_start3A_61 = arith.constant 0 : i32
    %dma_start3A_62 = tpu.memref_slice %arg11[%dma_start3A_54, %dma_start3A_61] : memref<8x96xi32, #tpu.memory_space<vmem>> -> memref<1x96xi32, #tpu.memory_space<vmem>>
    %dma_start3A_63 = tpu.memref_squeeze %dma_start3A_62 : memref<1x96xi32, #tpu.memory_space<vmem>> -> memref<96xi32, #tpu.memory_space<vmem>>
    %dma_start3A_64 = arith.constant 0 : i32
    %dma_start3A_65 = tpu.memref_slice %arg3[%add3A, %dma_start3A_53, %dma_start3A_64] : memref<32x109x96xi32, #tpu.memory_space<hbm>> -> memref<1x1x96xi32, #tpu.memory_space<hbm>>
    %dma_start3A_66 = tpu.memref_squeeze %dma_start3A_65 : memref<1x1x96xi32, #tpu.memory_space<hbm>> -> memref<96xi32, #tpu.memory_space<hbm>>
    tpu.enqueue_dma source(%dma_start3A_66 : memref<96xi32, #tpu.memory_space<hbm>>) target(%dma_start3A_63 : memref<96xi32, #tpu.memory_space<vmem>>) target_semaphore(%arg20 : memref<!tpu.dma_semaphore, #tpu.memory_space<semaphore_mem>>)
    %barrier3A = arith.constant 0 : index
    tpu.barrier barrier_id(%barrier3A)
    %dma_start3A_67 = arith.constant 0 : i32
    %dma_start3A_68 = arith.constant 0 : i32
    %dma_start3A_69 = tpu.memref_slice %arg10[%dma_start3A_67, %dma_start3A_68] : memref<8x96xi32, #tpu.memory_space<vmem>> -> memref<1x96xi32, #tpu.memory_space<vmem>>
    %dma_start3A_70 = tpu.memref_squeeze %dma_start3A_69 : memref<1x96xi32, #tpu.memory_space<vmem>> -> memref<96xi32, #tpu.memory_space<vmem>>
    %dma_start3A_71 = arith.constant 0 : i32
    %dma_start3A_72 = arith.constant 0 : i32
    %dma_start3A_73 = tpu.memref_slice %arg4[%dma_start3A_71, %dma_start3A_72] : memref<10240x128xf32, #tpu.memory_space<hbm>> -> memref<10240x128xf32, #tpu.memory_space<hbm>>
    tpu.enqueue_indirect_dma source(%dma_start3A_73 : memref<10240x128xf32, #tpu.memory_space<hbm>>) target(%arg12 : memref<96x128xf32, #tpu.memory_space<vmem>>) offsets(%dma_start3A_70 : memref<96xi32, #tpu.memory_space<vmem>>) semaphore(%arg21 : memref<!tpu.dma_semaphore, #tpu.memory_space<semaphore_mem>>)
    %dma_start3A_74 = arith.constant 0 : i32
    %dma_start3A_75 = arith.constant 0 : i32
    %dma_start3A_76 = tpu.memref_slice %arg11[%dma_start3A_74, %dma_start3A_75] : memref<8x96xi32, #tpu.memory_space<vmem>> -> memref<1x96xi32, #tpu.memory_space<vmem>>
    %dma_start3A_77 = tpu.memref_squeeze %dma_start3A_76 : memref<1x96xi32, #tpu.memory_space<vmem>> -> memref<96xi32, #tpu.memory_space<vmem>>
    %dma_start3A_78 = arith.constant 0 : i32
    %dma_start3A_79 = tpu.memref_slice %arg5[%dma_start3A_78] : memref<10240xf32, #tpu.memory_space<hbm>> -> memref<10240xf32, #tpu.memory_space<hbm>>
    tpu.enqueue_indirect_dma source(%dma_start3A_79 : memref<10240xf32, #tpu.memory_space<hbm>>) target(%arg15 : memref<96xf32, #tpu.memory_space<vmem>>) offsets(%dma_start3A_77 : memref<96xi32, #tpu.memory_space<vmem>>) semaphore(%arg24 : memref<!tpu.dma_semaphore, #tpu.memory_space<semaphore_mem>>)
    %dma_start3A_80 = arith.constant 1 : i32
    %dma_start3A_81 = arith.constant 0 : i32
    %dma_start3A_82 = tpu.memref_slice %arg10[%dma_start3A_80, %dma_start3A_81] : memref<8x96xi32, #tpu.memory_space<vmem>> -> memref<1x96xi32, #tpu.memory_space<vmem>>
    %dma_start3A_83 = tpu.memref_squeeze %dma_start3A_82 : memref<1x96xi32, #tpu.memory_space<vmem>> -> memref<96xi32, #tpu.memory_space<vmem>>
    %dma_start3A_84 = arith.constant 0 : i32
    %dma_start3A_85 = arith.constant 0 : i32
    %dma_start3A_86 = tpu.memref_slice %arg4[%dma_start3A_84, %dma_start3A_85] : memref<10240x128xf32, #tpu.memory_space<hbm>> -> memref<10240x128xf32, #tpu.memory_space<hbm>>
    tpu.enqueue_indirect_dma source(%dma_start3A_86 : memref<10240x128xf32, #tpu.memory_space<hbm>>) target(%arg13 : memref<96x128xf32, #tpu.memory_space<vmem>>) offsets(%dma_start3A_83 : memref<96xi32, #tpu.memory_space<vmem>>) semaphore(%arg22 : memref<!tpu.dma_semaphore, #tpu.memory_space<semaphore_mem>>)
    %dma_start3A_87 = arith.constant 1 : i32
    %dma_start3A_88 = arith.constant 0 : i32
    %dma_start3A_89 = tpu.memref_slice %arg11[%dma_start3A_87, %dma_start3A_88] : memref<8x96xi32, #tpu.memory_space<vmem>> -> memref<1x96xi32, #tpu.memory_space<vmem>>
    %dma_start3A_90 = tpu.memref_squeeze %dma_start3A_89 : memref<1x96xi32, #tpu.memory_space<vmem>> -> memref<96xi32, #tpu.memory_space<vmem>>
    %dma_start3A_91 = arith.constant 0 : i32
    %dma_start3A_92 = tpu.memref_slice %arg5[%dma_start3A_91] : memref<10240xf32, #tpu.memory_space<hbm>> -> memref<10240xf32, #tpu.memory_space<hbm>>
    tpu.enqueue_indirect_dma source(%dma_start3A_92 : memref<10240xf32, #tpu.memory_space<hbm>>) target(%arg16 : memref<96xf32, #tpu.memory_space<vmem>>) offsets(%dma_start3A_90 : memref<96xi32, #tpu.memory_space<vmem>>) semaphore(%arg25 : memref<!tpu.dma_semaphore, #tpu.memory_space<semaphore_mem>>)
    %scan3A = arith.constant 0 : i32
    %scan3A_93 = arith.constant 0 : i32
    %scan3A_94 = arith.constant 35 : i32
    %scan3A_95 = arith.addi %scan3A_93, %scan3A_94 : i32
    %scan3A_96 = arith.constant 1 : i32
    scf.for %scan3A_201 = %scan3A_93 to %scan3A_95 step %scan3A_96  : i32 {
      %mul3A_202 = arith.constant 3 : i32
      %mul3A_203 = arith.muli %mul3A_202, %scan3A_201 : i32
      %add3A_204 = arith.constant 0 : i32
      %add3A_205 = arith.addi %mul3A_203, %add3A_204 : i32
      %rem3A = arith.constant 8 : i32
      %rem3A_206 = arith.remsi %add3A_205, %rem3A : i32
      %add3A_207 = arith.constant 2 : i32
      %add3A_208 = arith.addi %add3A_205, %add3A_207 : i32
      %rem3A_209 = arith.constant 8 : i32
      %rem3A_210 = arith.remsi %add3A_208, %rem3A_209 : i32
      %add3A_211 = arith.constant 4 : i32
      %add3A_212 = arith.addi %add3A_205, %add3A_211 : i32
      %rem3A_213 = arith.constant 8 : i32
      %rem3A_214 = arith.remsi %add3A_212, %rem3A_213 : i32
      %dma_wait3A_215 = arith.constant 0 : i32
      %dma_wait3A_216 = tpu.memref_slice %arg10[%rem3A_206, %dma_wait3A_215] : memref<8x96xi32, #tpu.memory_space<vmem>> -> memref<1x96xi32, #tpu.memory_space<vmem>>
      %dma_wait3A_217 = tpu.memref_squeeze %dma_wait3A_216 : memref<1x96xi32, #tpu.memory_space<vmem>> -> memref<96xi32, #tpu.memory_space<vmem>>
      %dma_wait3A_218 = arith.constant 0 : i32
      %dma_wait3A_219 = arith.constant 0 : i32
      %dma_wait3A_220 = tpu.memref_slice %arg4[%dma_wait3A_218, %dma_wait3A_219] : memref<10240x128xf32, #tpu.memory_space<hbm>> -> memref<10240x128xf32, #tpu.memory_space<hbm>>
      tpu.wait_indirect_dma semaphore(%arg21 : memref<!tpu.dma_semaphore, #tpu.memory_space<semaphore_mem>>) src(%dma_wait3A_220 : memref<10240x128xf32, #tpu.memory_space<hbm>>) dst(%arg12 : memref<96x128xf32, #tpu.memory_space<vmem>>)
      %dma_start3A_221 = arith.constant 0 : i32
      %dma_start3A_222 = tpu.memref_slice %arg11[%rem3A_206, %dma_start3A_221] : memref<8x96xi32, #tpu.memory_space<vmem>> -> memref<1x96xi32, #tpu.memory_space<vmem>>
      %dma_start3A_223 = tpu.memref_squeeze %dma_start3A_222 : memref<1x96xi32, #tpu.memory_space<vmem>> -> memref<96xi32, #tpu.memory_space<vmem>>
      %dma_start3A_224 = arith.constant 0 : i32
      %dma_start3A_225 = arith.constant 0 : i32
      %dma_start3A_226 = tpu.memref_slice %arg18[%dma_start3A_224, %dma_start3A_225] : memref<10240x128xf32, #tpu.memory_space<vmem_shared>> -> memref<10240x128xf32, #tpu.memory_space<vmem_shared>>
      tpu.enqueue_indirect_dma source(%arg12 : memref<96x128xf32, #tpu.memory_space<vmem>>) target(%dma_start3A_226 : memref<10240x128xf32, #tpu.memory_space<vmem_shared>>) offsets(%dma_start3A_223 : memref<96xi32, #tpu.memory_space<vmem>>) semaphore(%arg27 : memref<!tpu.dma_semaphore, #tpu.memory_space<semaphore_mem>>) {add = true}
      %dma_wait3A_227 = arith.constant 0 : i32
      %dma_wait3A_228 = tpu.memref_slice %arg11[%rem3A_206, %dma_wait3A_227] : memref<8x96xi32, #tpu.memory_space<vmem>> -> memref<1x96xi32, #tpu.memory_space<vmem>>
      %dma_wait3A_229 = tpu.memref_squeeze %dma_wait3A_228 : memref<1x96xi32, #tpu.memory_space<vmem>> -> memref<96xi32, #tpu.memory_space<vmem>>
      %dma_wait3A_230 = arith.constant 0 : i32
      %dma_wait3A_231 = tpu.memref_slice %arg5[%dma_wait3A_230] : memref<10240xf32, #tpu.memory_space<hbm>> -> memref<10240xf32, #tpu.memory_space<hbm>>
      tpu.wait_indirect_dma semaphore(%arg24 : memref<!tpu.dma_semaphore, #tpu.memory_space<semaphore_mem>>) src(%dma_wait3A_231 : memref<10240xf32, #tpu.memory_space<hbm>>) dst(%arg15 : memref<96xf32, #tpu.memory_space<vmem>>)
      %dma_start3A_232 = arith.constant 0 : i32
      %dma_start3A_233 = tpu.memref_slice %arg10[%rem3A_206, %dma_start3A_232] : memref<8x96xi32, #tpu.memory_space<vmem>> -> memref<1x96xi32, #tpu.memory_space<vmem>>
      %dma_start3A_234 = tpu.memref_squeeze %dma_start3A_233 : memref<1x96xi32, #tpu.memory_space<vmem>> -> memref<96xi32, #tpu.memory_space<vmem>>
      %dma_start3A_235 = arith.constant 0 : i32
      %dma_start3A_236 = tpu.memref_slice %arg19[%dma_start3A_235] : memref<10240xf32, #tpu.memory_space<vmem_shared>> -> memref<10240xf32, #tpu.memory_space<vmem_shared>>
      tpu.enqueue_indirect_dma source(%arg15 : memref<96xf32, #tpu.memory_space<vmem>>) target(%dma_start3A_236 : memref<10240xf32, #tpu.memory_space<vmem_shared>>) offsets(%dma_start3A_234 : memref<96xi32, #tpu.memory_space<vmem>>) semaphore(%arg30 : memref<!tpu.dma_semaphore, #tpu.memory_space<semaphore_mem>>) {add = true}
      %gt3A = arith.constant 0 : i32
      %gt3A_237 = arith.cmpi sgt, %add3A_205, %gt3A : i32
      %convert_element_type3A = arith.extui %gt3A_237 : i1 to i32
      %cond3A = arith.constant 0 : i32
      %cond3A_238 = arith.cmpi ne, %convert_element_type3A, %cond3A : i32
      scf.if %cond3A_238 {
        %dma_wait3A_516 = arith.constant 0 : i32
        %dma_wait3A_517 = tpu.memref_slice %arg11[%rem3A_206, %dma_wait3A_516] : memref<8x96xi32, #tpu.memory_space<vmem>> -> memref<1x96xi32, #tpu.memory_space<vmem>>
        %dma_wait3A_518 = tpu.memref_squeeze %dma_wait3A_517 : memref<1x96xi32, #tpu.memory_space<vmem>> -> memref<96xi32, #tpu.memory_space<vmem>>
        %dma_wait3A_519 = arith.constant 0 : i32
        %dma_wait3A_520 = arith.constant 0 : i32
        %dma_wait3A_521 = tpu.memref_slice %arg18[%dma_wait3A_519, %dma_wait3A_520] : memref<10240x128xf32, #tpu.memory_space<vmem_shared>> -> memref<10240x128xf32, #tpu.memory_space<vmem_shared>>
        tpu.wait_indirect_dma semaphore(%arg29 : memref<!tpu.dma_semaphore, #tpu.memory_space<semaphore_mem>>) src(%arg14 : memref<96x128xf32, #tpu.memory_space<vmem>>) dst(%dma_wait3A_521 : memref<10240x128xf32, #tpu.memory_space<vmem_shared>>)
        %dma_wait3A_522 = arith.constant 0 : i32
        %dma_wait3A_523 = tpu.memref_slice %arg10[%rem3A_206, %dma_wait3A_522] : memref<8x96xi32, #tpu.memory_space<vmem>> -> memref<1x96xi32, #tpu.memory_space<vmem>>
        %dma_wait3A_524 = tpu.memref_squeeze %dma_wait3A_523 : memref<1x96xi32, #tpu.memory_space<vmem>> -> memref<96xi32, #tpu.memory_space<vmem>>
        %dma_wait3A_525 = arith.constant 0 : i32
        %dma_wait3A_526 = tpu.memref_slice %arg19[%dma_wait3A_525] : memref<10240xf32, #tpu.memory_space<vmem_shared>> -> memref<10240xf32, #tpu.memory_space<vmem_shared>>
        tpu.wait_indirect_dma semaphore(%arg32 : memref<!tpu.dma_semaphore, #tpu.memory_space<semaphore_mem>>) src(%arg17 : memref<96xf32, #tpu.memory_space<vmem>>) dst(%dma_wait3A_526 : memref<10240xf32, #tpu.memory_space<vmem_shared>>)
      } else {
      }
      %add3A_239 = arith.constant 4 : i32
      %add3A_240 = arith.addi %add3A_205, %add3A_239 : i32
      %dma_start3A_241 = arith.constant 0 : i32
      %dma_start3A_242 = tpu.memref_slice %arg10[%rem3A_214, %dma_start3A_241] : memref<8x96xi32, #tpu.memory_space<vmem>> -> memref<1x96xi32, #tpu.memory_space<vmem>>
      %dma_start3A_243 = tpu.memref_squeeze %dma_start3A_242 : memref<1x96xi32, #tpu.memory_space<vmem>> -> memref<96xi32, #tpu.memory_space<vmem>>
      %dma_start3A_244 = arith.constant 0 : i32
      %dma_start3A_245 = tpu.memref_slice %arg2[%add3A, %add3A_240, %dma_start3A_244] : memref<32x109x96xi32, #tpu.memory_space<hbm>> -> memref<1x1x96xi32, #tpu.memory_space<hbm>>
      %dma_start3A_246 = tpu.memref_squeeze %dma_start3A_245 : memref<1x1x96xi32, #tpu.memory_space<hbm>> -> memref<96xi32, #tpu.memory_space<hbm>>
      %dma_start3A_247 = arith.constant 0 : i32
      %dma_start3A_248 = tpu.memref_slice %arg10[%rem3A_214, %dma_start3A_247] : memref<8x96xi32, #tpu.memory_space<vmem>> -> memref<1x96xi32, #tpu.memory_space<vmem>>
      %dma_start3A_249 = tpu.memref_squeeze %dma_start3A_248 : memref<1x96xi32, #tpu.memory_space<vmem>> -> memref<96xi32, #tpu.memory_space<vmem>>
      %dma_start3A_250 = arith.constant 0 : i32
      %dma_start3A_251 = tpu.memref_slice %arg2[%add3A, %add3A_240, %dma_start3A_250] : memref<32x109x96xi32, #tpu.memory_space<hbm>> -> memref<1x1x96xi32, #tpu.memory_space<hbm>>
      %dma_start3A_252 = tpu.memref_squeeze %dma_start3A_251 : memref<1x1x96xi32, #tpu.memory_space<hbm>> -> memref<96xi32, #tpu.memory_space<hbm>>
      tpu.enqueue_dma source(%dma_start3A_252 : memref<96xi32, #tpu.memory_space<hbm>>) target(%dma_start3A_249 : memref<96xi32, #tpu.memory_space<vmem>>) target_semaphore(%arg20 : memref<!tpu.dma_semaphore, #tpu.memory_space<semaphore_mem>>)
      %add3A_253 = arith.constant 4 : i32
      %add3A_254 = arith.addi %add3A_205, %add3A_253 : i32
      %dma_start3A_255 = arith.constant 0 : i32
      %dma_start3A_256 = tpu.memref_slice %arg11[%rem3A_214, %dma_start3A_255] : memref<8x96xi32, #tpu.memory_space<vmem>> -> memref<1x96xi32, #tpu.memory_space<vmem>>
      %dma_start3A_257 = tpu.memref_squeeze %dma_start3A_256 : memref<1x96xi32, #tpu.memory_space<vmem>> -> memref<96xi32, #tpu.memory_space<vmem>>
      %dma_start3A_258 = arith.constant 0 : i32
      %dma_start3A_259 = tpu.memref_slice %arg3[%add3A, %add3A_254, %dma_start3A_258] : memref<32x109x96xi32, #tpu.memory_space<hbm>> -> memref<1x1x96xi32, #tpu.memory_space<hbm>>
      %dma_start3A_260 = tpu.memref_squeeze %dma_start3A_259 : memref<1x1x96xi32, #tpu.memory_space<hbm>> -> memref<96xi32, #tpu.memory_space<hbm>>
      %dma_start3A_261 = arith.constant 0 : i32
      %dma_start3A_262 = tpu.memref_slice %arg11[%rem3A_214, %dma_start3A_261] : memref<8x96xi32, #tpu.memory_space<vmem>> -> memref<1x96xi32, #tpu.memory_space<vmem>>
      %dma_start3A_263 = tpu.memref_squeeze %dma_start3A_262 : memref<1x96xi32, #tpu.memory_space<vmem>> -> memref<96xi32, #tpu.memory_space<vmem>>
      %dma_start3A_264 = arith.constant 0 : i32
      %dma_start3A_265 = tpu.memref_slice %arg3[%add3A, %add3A_254, %dma_start3A_264] : memref<32x109x96xi32, #tpu.memory_space<hbm>> -> memref<1x1x96xi32, #tpu.memory_space<hbm>>
      %dma_start3A_266 = tpu.memref_squeeze %dma_start3A_265 : memref<1x1x96xi32, #tpu.memory_space<hbm>> -> memref<96xi32, #tpu.memory_space<hbm>>
      tpu.enqueue_dma source(%dma_start3A_266 : memref<96xi32, #tpu.memory_space<hbm>>) target(%dma_start3A_263 : memref<96xi32, #tpu.memory_space<vmem>>) target_semaphore(%arg20 : memref<!tpu.dma_semaphore, #tpu.memory_space<semaphore_mem>>)
      %dma_wait3A_267 = arith.constant 0 : i32
      %dma_wait3A_268 = arith.constant 0 : i32
      %dma_wait3A_269 = tpu.memref_slice %arg10[%rem3A_210, %dma_wait3A_268] : memref<8x96xi32, #tpu.memory_space<vmem>> -> memref<1x96xi32, #tpu.memory_space<vmem>>
      %dma_wait3A_270 = tpu.memref_squeeze %dma_wait3A_269 : memref<1x96xi32, #tpu.memory_space<vmem>> -> memref<96xi32, #tpu.memory_space<vmem>>
      %dma_wait3A_271 = arith.constant 0 : i32
      %dma_wait3A_272 = tpu.memref_slice %arg2[%add3A, %dma_wait3A_267, %dma_wait3A_271] : memref<32x109x96xi32, #tpu.memory_space<hbm>> -> memref<1x1x96xi32, #tpu.memory_space<hbm>>
      %dma_wait3A_273 = tpu.memref_squeeze %dma_wait3A_272 : memref<1x1x96xi32, #tpu.memory_space<hbm>> -> memref<96xi32, #tpu.memory_space<hbm>>
      %dma_wait3A_274 = arith.constant 0 : i32
      %dma_wait3A_275 = tpu.memref_slice %arg10[%rem3A_210, %dma_wait3A_274] : memref<8x96xi32, #tpu.memory_space<vmem>> -> memref<1x96xi32, #tpu.memory_space<vmem>>
      %dma_wait3A_276 = tpu.memref_squeeze %dma_wait3A_275 : memref<1x96xi32, #tpu.memory_space<vmem>> -> memref<96xi32, #tpu.memory_space<vmem>>
      %dma_wait3A_277 = arith.constant 0 : i32
      %dma_wait3A_278 = tpu.memref_slice %arg2[%add3A, %dma_wait3A_267, %dma_wait3A_277] : memref<32x109x96xi32, #tpu.memory_space<hbm>> -> memref<1x1x96xi32, #tpu.memory_space<hbm>>
      %dma_wait3A_279 = tpu.memref_squeeze %dma_wait3A_278 : memref<1x1x96xi32, #tpu.memory_space<hbm>> -> memref<96xi32, #tpu.memory_space<hbm>>
      tpu.wait_dma2 semaphore(%arg20 : memref<!tpu.dma_semaphore, #tpu.memory_space<semaphore_mem>>) src(%dma_wait3A_279 : memref<96xi32, #tpu.memory_space<hbm>>) dst(%dma_wait3A_276 : memref<96xi32, #tpu.memory_space<vmem>>)
      %dma_wait3A_280 = arith.constant 0 : i32
      %dma_wait3A_281 = arith.constant 0 : i32
      %dma_wait3A_282 = tpu.memref_slice %arg10[%rem3A_210, %dma_wait3A_281] : memref<8x96xi32, #tpu.memory_space<vmem>> -> memref<1x96xi32, #tpu.memory_space<vmem>>
      %dma_wait3A_283 = tpu.memref_squeeze %dma_wait3A_282 : memref<1x96xi32, #tpu.memory_space<vmem>> -> memref<96xi32, #tpu.memory_space<vmem>>
      %dma_wait3A_284 = arith.constant 0 : i32
      %dma_wait3A_285 = tpu.memref_slice %arg2[%add3A, %dma_wait3A_280, %dma_wait3A_284] : memref<32x109x96xi32, #tpu.memory_space<hbm>> -> memref<1x1x96xi32, #tpu.memory_space<hbm>>
      %dma_wait3A_286 = tpu.memref_squeeze %dma_wait3A_285 : memref<1x1x96xi32, #tpu.memory_space<hbm>> -> memref<96xi32, #tpu.memory_space<hbm>>
      %dma_wait3A_287 = arith.constant 0 : i32
      %dma_wait3A_288 = tpu.memref_slice %arg10[%rem3A_210, %dma_wait3A_287] : memref<8x96xi32, #tpu.memory_space<vmem>> -> memref<1x96xi32, #tpu.memory_space<vmem>>
      %dma_wait3A_289 = tpu.memref_squeeze %dma_wait3A_288 : memref<1x96xi32, #tpu.memory_space<vmem>> -> memref<96xi32, #tpu.memory_space<vmem>>
      %dma_wait3A_290 = arith.constant 0 : i32
      %dma_wait3A_291 = tpu.memref_slice %arg2[%add3A, %dma_wait3A_280, %dma_wait3A_290] : memref<32x109x96xi32, #tpu.memory_space<hbm>> -> memref<1x1x96xi32, #tpu.memory_space<hbm>>
      %dma_wait3A_292 = tpu.memref_squeeze %dma_wait3A_291 : memref<1x1x96xi32, #tpu.memory_space<hbm>> -> memref<96xi32, #tpu.memory_space<hbm>>
      tpu.wait_dma2 semaphore(%arg20 : memref<!tpu.dma_semaphore, #tpu.memory_space<semaphore_mem>>) src(%dma_wait3A_292 : memref<96xi32, #tpu.memory_space<hbm>>) dst(%dma_wait3A_289 : memref<96xi32, #tpu.memory_space<vmem>>)
      %dma_start3A_293 = arith.constant 0 : i32
      %dma_start3A_294 = tpu.memref_slice %arg10[%rem3A_210, %dma_start3A_293] : memref<8x96xi32, #tpu.memory_space<vmem>> -> memref<1x96xi32, #tpu.memory_space<vmem>>
      %dma_start3A_295 = tpu.memref_squeeze %dma_start3A_294 : memref<1x96xi32, #tpu.memory_space<vmem>> -> memref<96xi32, #tpu.memory_space<vmem>>
      %dma_start3A_296 = arith.constant 0 : i32
      %dma_start3A_297 = arith.constant 0 : i32
      %dma_start3A_298 = tpu.memref_slice %arg4[%dma_start3A_296, %dma_start3A_297] : memref<10240x128xf32, #tpu.memory_space<hbm>> -> memref<10240x128xf32, #tpu.memory_space<hbm>>
      tpu.enqueue_indirect_dma source(%dma_start3A_298 : memref<10240x128xf32, #tpu.memory_space<hbm>>) target(%arg14 : memref<96x128xf32, #tpu.memory_space<vmem>>) offsets(%dma_start3A_295 : memref<96xi32, #tpu.memory_space<vmem>>) semaphore(%arg23 : memref<!tpu.dma_semaphore, #tpu.memory_space<semaphore_mem>>)
      %dma_start3A_299 = arith.constant 0 : i32
      %dma_start3A_300 = tpu.memref_slice %arg11[%rem3A_210, %dma_start3A_299] : memref<8x96xi32, #tpu.memory_space<vmem>> -> memref<1x96xi32, #tpu.memory_space<vmem>>
      %dma_start3A_301 = tpu.memref_squeeze %dma_start3A_300 : memref<1x96xi32, #tpu.memory_space<vmem>> -> memref<96xi32, #tpu.memory_space<vmem>>
      %dma_start3A_302 = arith.constant 0 : i32
      %dma_start3A_303 = tpu.memref_slice %arg5[%dma_start3A_302] : memref<10240xf32, #tpu.memory_space<hbm>> -> memref<10240xf32, #tpu.memory_space<hbm>>
      tpu.enqueue_indirect_dma source(%dma_start3A_303 : memref<10240xf32, #tpu.memory_space<hbm>>) target(%arg17 : memref<96xf32, #tpu.memory_space<vmem>>) offsets(%dma_start3A_301 : memref<96xi32, #tpu.memory_space<vmem>>) semaphore(%arg26 : memref<!tpu.dma_semaphore, #tpu.memory_space<semaphore_mem>>)
      %mul3A_304 = arith.constant 3 : i32
      %mul3A_305 = arith.muli %mul3A_304, %scan3A_201 : i32
      %add3A_306 = arith.constant 1 : i32
      %add3A_307 = arith.addi %mul3A_305, %add3A_306 : i32
      %rem3A_308 = arith.constant 8 : i32
      %rem3A_309 = arith.remsi %add3A_307, %rem3A_308 : i32
      %add3A_310 = arith.constant 2 : i32
      %add3A_311 = arith.addi %add3A_307, %add3A_310 : i32
      %rem3A_312 = arith.constant 8 : i32
      %rem3A_313 = arith.remsi %add3A_311, %rem3A_312 : i32
      %add3A_314 = arith.constant 4 : i32
      %add3A_315 = arith.addi %add3A_307, %add3A_314 : i32
      %rem3A_316 = arith.constant 8 : i32
      %rem3A_317 = arith.remsi %add3A_315, %rem3A_316 : i32
      %dma_wait3A_318 = arith.constant 0 : i32
      %dma_wait3A_319 = tpu.memref_slice %arg10[%rem3A_309, %dma_wait3A_318] : memref<8x96xi32, #tpu.memory_space<vmem>> -> memref<1x96xi32, #tpu.memory_space<vmem>>
      %dma_wait3A_320 = tpu.memref_squeeze %dma_wait3A_319 : memref<1x96xi32, #tpu.memory_space<vmem>> -> memref<96xi32, #tpu.memory_space<vmem>>
      %dma_wait3A_321 = arith.constant 0 : i32
      %dma_wait3A_322 = arith.constant 0 : i32
      %dma_wait3A_323 = tpu.memref_slice %arg4[%dma_wait3A_321, %dma_wait3A_322] : memref<10240x128xf32, #tpu.memory_space<hbm>> -> memref<10240x128xf32, #tpu.memory_space<hbm>>
      tpu.wait_indirect_dma semaphore(%arg22 : memref<!tpu.dma_semaphore, #tpu.memory_space<semaphore_mem>>) src(%dma_wait3A_323 : memref<10240x128xf32, #tpu.memory_space<hbm>>) dst(%arg13 : memref<96x128xf32, #tpu.memory_space<vmem>>)
      %dma_start3A_324 = arith.constant 0 : i32
      %dma_start3A_325 = tpu.memref_slice %arg11[%rem3A_309, %dma_start3A_324] : memref<8x96xi32, #tpu.memory_space<vmem>> -> memref<1x96xi32, #tpu.memory_space<vmem>>
      %dma_start3A_326 = tpu.memref_squeeze %dma_start3A_325 : memref<1x96xi32, #tpu.memory_space<vmem>> -> memref<96xi32, #tpu.memory_space<vmem>>
      %dma_start3A_327 = arith.constant 0 : i32
      %dma_start3A_328 = arith.constant 0 : i32
      %dma_start3A_329 = tpu.memref_slice %arg18[%dma_start3A_327, %dma_start3A_328] : memref<10240x128xf32, #tpu.memory_space<vmem_shared>> -> memref<10240x128xf32, #tpu.memory_space<vmem_shared>>
      tpu.enqueue_indirect_dma source(%arg13 : memref<96x128xf32, #tpu.memory_space<vmem>>) target(%dma_start3A_329 : memref<10240x128xf32, #tpu.memory_space<vmem_shared>>) offsets(%dma_start3A_326 : memref<96xi32, #tpu.memory_space<vmem>>) semaphore(%arg28 : memref<!tpu.dma_semaphore, #tpu.memory_space<semaphore_mem>>) {add = true}
      %dma_wait3A_330 = arith.constant 0 : i32
      %dma_wait3A_331 = tpu.memref_slice %arg11[%rem3A_309, %dma_wait3A_330] : memref<8x96xi32, #tpu.memory_space<vmem>> -> memref<1x96xi32, #tpu.memory_space<vmem>>
      %dma_wait3A_332 = tpu.memref_squeeze %dma_wait3A_331 : memref<1x96xi32, #tpu.memory_space<vmem>> -> memref<96xi32, #tpu.memory_space<vmem>>
      %dma_wait3A_333 = arith.constant 0 : i32
      %dma_wait3A_334 = tpu.memref_slice %arg5[%dma_wait3A_333] : memref<10240xf32, #tpu.memory_space<hbm>> -> memref<10240xf32, #tpu.memory_space<hbm>>
      tpu.wait_indirect_dma semaphore(%arg25 : memref<!tpu.dma_semaphore, #tpu.memory_space<semaphore_mem>>) src(%dma_wait3A_334 : memref<10240xf32, #tpu.memory_space<hbm>>) dst(%arg16 : memref<96xf32, #tpu.memory_space<vmem>>)
      %dma_start3A_335 = arith.constant 0 : i32
      %dma_start3A_336 = tpu.memref_slice %arg10[%rem3A_309, %dma_start3A_335] : memref<8x96xi32, #tpu.memory_space<vmem>> -> memref<1x96xi32, #tpu.memory_space<vmem>>
      %dma_start3A_337 = tpu.memref_squeeze %dma_start3A_336 : memref<1x96xi32, #tpu.memory_space<vmem>> -> memref<96xi32, #tpu.memory_space<vmem>>
      %dma_start3A_338 = arith.constant 0 : i32
      %dma_start3A_339 = tpu.memref_slice %arg19[%dma_start3A_338] : memref<10240xf32, #tpu.memory_space<vmem_shared>> -> memref<10240xf32, #tpu.memory_space<vmem_shared>>
      tpu.enqueue_indirect_dma source(%arg16 : memref<96xf32, #tpu.memory_space<vmem>>) target(%dma_start3A_339 : memref<10240xf32, #tpu.memory_space<vmem_shared>>) offsets(%dma_start3A_337 : memref<96xi32, #tpu.memory_space<vmem>>) semaphore(%arg31 : memref<!tpu.dma_semaphore, #tpu.memory_space<semaphore_mem>>) {add = true}
      %gt3A_340 = arith.constant 0 : i32
      %gt3A_341 = arith.cmpi sgt, %add3A_307, %gt3A_340 : i32
      %convert_element_type3A_342 = arith.extui %gt3A_341 : i1 to i32
      %cond3A_343 = arith.constant 0 : i32
      %cond3A_344 = arith.cmpi ne, %convert_element_type3A_342, %cond3A_343 : i32
      scf.if %cond3A_344 {
        %dma_wait3A_516 = arith.constant 0 : i32
        %dma_wait3A_517 = tpu.memref_slice %arg11[%rem3A_309, %dma_wait3A_516] : memref<8x96xi32, #tpu.memory_space<vmem>> -> memref<1x96xi32, #tpu.memory_space<vmem>>
        %dma_wait3A_518 = tpu.memref_squeeze %dma_wait3A_517 : memref<1x96xi32, #tpu.memory_space<vmem>> -> memref<96xi32, #tpu.memory_space<vmem>>
        %dma_wait3A_519 = arith.constant 0 : i32
        %dma_wait3A_520 = arith.constant 0 : i32
        %dma_wait3A_521 = tpu.memref_slice %arg18[%dma_wait3A_519, %dma_wait3A_520] : memref<10240x128xf32, #tpu.memory_space<vmem_shared>> -> memref<10240x128xf32, #tpu.memory_space<vmem_shared>>
        tpu.wait_indirect_dma semaphore(%arg27 : memref<!tpu.dma_semaphore, #tpu.memory_space<semaphore_mem>>) src(%arg12 : memref<96x128xf32, #tpu.memory_space<vmem>>) dst(%dma_wait3A_521 : memref<10240x128xf32, #tpu.memory_space<vmem_shared>>)
        %dma_wait3A_522 = arith.constant 0 : i32
        %dma_wait3A_523 = tpu.memref_slice %arg10[%rem3A_309, %dma_wait3A_522] : memref<8x96xi32, #tpu.memory_space<vmem>> -> memref<1x96xi32, #tpu.memory_space<vmem>>
        %dma_wait3A_524 = tpu.memref_squeeze %dma_wait3A_523 : memref<1x96xi32, #tpu.memory_space<vmem>> -> memref<96xi32, #tpu.memory_space<vmem>>
        %dma_wait3A_525 = arith.constant 0 : i32
        %dma_wait3A_526 = tpu.memref_slice %arg19[%dma_wait3A_525] : memref<10240xf32, #tpu.memory_space<vmem_shared>> -> memref<10240xf32, #tpu.memory_space<vmem_shared>>
        tpu.wait_indirect_dma semaphore(%arg30 : memref<!tpu.dma_semaphore, #tpu.memory_space<semaphore_mem>>) src(%arg15 : memref<96xf32, #tpu.memory_space<vmem>>) dst(%dma_wait3A_526 : memref<10240xf32, #tpu.memory_space<vmem_shared>>)
      } else {
      }
      %add3A_345 = arith.constant 4 : i32
      %add3A_346 = arith.addi %add3A_307, %add3A_345 : i32
      %dma_start3A_347 = arith.constant 0 : i32
      %dma_start3A_348 = tpu.memref_slice %arg10[%rem3A_317, %dma_start3A_347] : memref<8x96xi32, #tpu.memory_space<vmem>> -> memref<1x96xi32, #tpu.memory_space<vmem>>
      %dma_start3A_349 = tpu.memref_squeeze %dma_start3A_348 : memref<1x96xi32, #tpu.memory_space<vmem>> -> memref<96xi32, #tpu.memory_space<vmem>>
      %dma_start3A_350 = arith.constant 0 : i32
      %dma_start3A_351 = tpu.memref_slice %arg2[%add3A, %add3A_346, %dma_start3A_350] : memref<32x109x96xi32, #tpu.memory_space<hbm>> -> memref<1x1x96xi32, #tpu.memory_space<hbm>>
      %dma_start3A_352 = tpu.memref_squeeze %dma_start3A_351 : memref<1x1x96xi32, #tpu.memory_space<hbm>> -> memref<96xi32, #tpu.memory_space<hbm>>
      %dma_start3A_353 = arith.constant 0 : i32
      %dma_start3A_354 = tpu.memref_slice %arg10[%rem3A_317, %dma_start3A_353] : memref<8x96xi32, #tpu.memory_space<vmem>> -> memref<1x96xi32, #tpu.memory_space<vmem>>
      %dma_start3A_355 = tpu.memref_squeeze %dma_start3A_354 : memref<1x96xi32, #tpu.memory_space<vmem>> -> memref<96xi32, #tpu.memory_space<vmem>>
      %dma_start3A_356 = arith.constant 0 : i32
      %dma_start3A_357 = tpu.memref_slice %arg2[%add3A, %add3A_346, %dma_start3A_356] : memref<32x109x96xi32, #tpu.memory_space<hbm>> -> memref<1x1x96xi32, #tpu.memory_space<hbm>>
      %dma_start3A_358 = tpu.memref_squeeze %dma_start3A_357 : memref<1x1x96xi32, #tpu.memory_space<hbm>> -> memref<96xi32, #tpu.memory_space<hbm>>
      tpu.enqueue_dma source(%dma_start3A_358 : memref<96xi32, #tpu.memory_space<hbm>>) target(%dma_start3A_355 : memref<96xi32, #tpu.memory_space<vmem>>) target_semaphore(%arg20 : memref<!tpu.dma_semaphore, #tpu.memory_space<semaphore_mem>>)
      %add3A_359 = arith.constant 4 : i32
      %add3A_360 = arith.addi %add3A_307, %add3A_359 : i32
      %dma_start3A_361 = arith.constant 0 : i32
      %dma_start3A_362 = tpu.memref_slice %arg11[%rem3A_317, %dma_start3A_361] : memref<8x96xi32, #tpu.memory_space<vmem>> -> memref<1x96xi32, #tpu.memory_space<vmem>>
      %dma_start3A_363 = tpu.memref_squeeze %dma_start3A_362 : memref<1x96xi32, #tpu.memory_space<vmem>> -> memref<96xi32, #tpu.memory_space<vmem>>
      %dma_start3A_364 = arith.constant 0 : i32
      %dma_start3A_365 = tpu.memref_slice %arg3[%add3A, %add3A_360, %dma_start3A_364] : memref<32x109x96xi32, #tpu.memory_space<hbm>> -> memref<1x1x96xi32, #tpu.memory_space<hbm>>
      %dma_start3A_366 = tpu.memref_squeeze %dma_start3A_365 : memref<1x1x96xi32, #tpu.memory_space<hbm>> -> memref<96xi32, #tpu.memory_space<hbm>>
      %dma_start3A_367 = arith.constant 0 : i32
      %dma_start3A_368 = tpu.memref_slice %arg11[%rem3A_317, %dma_start3A_367] : memref<8x96xi32, #tpu.memory_space<vmem>> -> memref<1x96xi32, #tpu.memory_space<vmem>>
      %dma_start3A_369 = tpu.memref_squeeze %dma_start3A_368 : memref<1x96xi32, #tpu.memory_space<vmem>> -> memref<96xi32, #tpu.memory_space<vmem>>
      %dma_start3A_370 = arith.constant 0 : i32
      %dma_start3A_371 = tpu.memref_slice %arg3[%add3A, %add3A_360, %dma_start3A_370] : memref<32x109x96xi32, #tpu.memory_space<hbm>> -> memref<1x1x96xi32, #tpu.memory_space<hbm>>
      %dma_start3A_372 = tpu.memref_squeeze %dma_start3A_371 : memref<1x1x96xi32, #tpu.memory_space<hbm>> -> memref<96xi32, #tpu.memory_space<hbm>>
      tpu.enqueue_dma source(%dma_start3A_372 : memref<96xi32, #tpu.memory_space<hbm>>) target(%dma_start3A_369 : memref<96xi32, #tpu.memory_space<vmem>>) target_semaphore(%arg20 : memref<!tpu.dma_semaphore, #tpu.memory_space<semaphore_mem>>)
      %dma_wait3A_373 = arith.constant 0 : i32
      %dma_wait3A_374 = arith.constant 0 : i32
      %dma_wait3A_375 = tpu.memref_slice %arg10[%rem3A_313, %dma_wait3A_374] : memref<8x96xi32, #tpu.memory_space<vmem>> -> memref<1x96xi32, #tpu.memory_space<vmem>>
      %dma_wait3A_376 = tpu.memref_squeeze %dma_wait3A_375 : memref<1x96xi32, #tpu.memory_space<vmem>> -> memref<96xi32, #tpu.memory_space<vmem>>
      %dma_wait3A_377 = arith.constant 0 : i32
      %dma_wait3A_378 = tpu.memref_slice %arg2[%add3A, %dma_wait3A_373, %dma_wait3A_377] : memref<32x109x96xi32, #tpu.memory_space<hbm>> -> memref<1x1x96xi32, #tpu.memory_space<hbm>>
      %dma_wait3A_379 = tpu.memref_squeeze %dma_wait3A_378 : memref<1x1x96xi32, #tpu.memory_space<hbm>> -> memref<96xi32, #tpu.memory_space<hbm>>
      %dma_wait3A_380 = arith.constant 0 : i32
      %dma_wait3A_381 = tpu.memref_slice %arg10[%rem3A_313, %dma_wait3A_380] : memref<8x96xi32, #tpu.memory_space<vmem>> -> memref<1x96xi32, #tpu.memory_space<vmem>>
      %dma_wait3A_382 = tpu.memref_squeeze %dma_wait3A_381 : memref<1x96xi32, #tpu.memory_space<vmem>> -> memref<96xi32, #tpu.memory_space<vmem>>
      %dma_wait3A_383 = arith.constant 0 : i32
      %dma_wait3A_384 = tpu.memref_slice %arg2[%add3A, %dma_wait3A_373, %dma_wait3A_383] : memref<32x109x96xi32, #tpu.memory_space<hbm>> -> memref<1x1x96xi32, #tpu.memory_space<hbm>>
      %dma_wait3A_385 = tpu.memref_squeeze %dma_wait3A_384 : memref<1x1x96xi32, #tpu.memory_space<hbm>> -> memref<96xi32, #tpu.memory_space<hbm>>
      tpu.wait_dma2 semaphore(%arg20 : memref<!tpu.dma_semaphore, #tpu.memory_space<semaphore_mem>>) src(%dma_wait3A_385 : memref<96xi32, #tpu.memory_space<hbm>>) dst(%dma_wait3A_382 : memref<96xi32, #tpu.memory_space<vmem>>)
      %dma_wait3A_386 = arith.constant 0 : i32
      %dma_wait3A_387 = arith.constant 0 : i32
      %dma_wait3A_388 = tpu.memref_slice %arg10[%rem3A_313, %dma_wait3A_387] : memref<8x96xi32, #tpu.memory_space<vmem>> -> memref<1x96xi32, #tpu.memory_space<vmem>>
      %dma_wait3A_389 = tpu.memref_squeeze %dma_wait3A_388 : memref<1x96xi32, #tpu.memory_space<vmem>> -> memref<96xi32, #tpu.memory_space<vmem>>
      %dma_wait3A_390 = arith.constant 0 : i32
      %dma_wait3A_391 = tpu.memref_slice %arg2[%add3A, %dma_wait3A_386, %dma_wait3A_390] : memref<32x109x96xi32, #tpu.memory_space<hbm>> -> memref<1x1x96xi32, #tpu.memory_space<hbm>>
      %dma_wait3A_392 = tpu.memref_squeeze %dma_wait3A_391 : memref<1x1x96xi32, #tpu.memory_space<hbm>> -> memref<96xi32, #tpu.memory_space<hbm>>
      %dma_wait3A_393 = arith.constant 0 : i32
      %dma_wait3A_394 = tpu.memref_slice %arg10[%rem3A_313, %dma_wait3A_393] : memref<8x96xi32, #tpu.memory_space<vmem>> -> memref<1x96xi32, #tpu.memory_space<vmem>>
      %dma_wait3A_395 = tpu.memref_squeeze %dma_wait3A_394 : memref<1x96xi32, #tpu.memory_space<vmem>> -> memref<96xi32, #tpu.memory_space<vmem>>
      %dma_wait3A_396 = arith.constant 0 : i32
      %dma_wait3A_397 = tpu.memref_slice %arg2[%add3A, %dma_wait3A_386, %dma_wait3A_396] : memref<32x109x96xi32, #tpu.memory_space<hbm>> -> memref<1x1x96xi32, #tpu.memory_space<hbm>>
      %dma_wait3A_398 = tpu.memref_squeeze %dma_wait3A_397 : memref<1x1x96xi32, #tpu.memory_space<hbm>> -> memref<96xi32, #tpu.memory_space<hbm>>
      tpu.wait_dma2 semaphore(%arg20 : memref<!tpu.dma_semaphore, #tpu.memory_space<semaphore_mem>>) src(%dma_wait3A_398 : memref<96xi32, #tpu.memory_space<hbm>>) dst(%dma_wait3A_395 : memref<96xi32, #tpu.memory_space<vmem>>)
      %dma_start3A_399 = arith.constant 0 : i32
      %dma_start3A_400 = tpu.memref_slice %arg10[%rem3A_313, %dma_start3A_399] : memref<8x96xi32, #tpu.memory_space<vmem>> -> memref<1x96xi32, #tpu.memory_space<vmem>>
      %dma_start3A_401 = tpu.memref_squeeze %dma_start3A_400 : memref<1x96xi32, #tpu.memory_space<vmem>> -> memref<96xi32, #tpu.memory_space<vmem>>
      %dma_start3A_402 = arith.constant 0 : i32
      %dma_start3A_403 = arith.constant 0 : i32
      %dma_start3A_404 = tpu.memref_slice %arg4[%dma_start3A_402, %dma_start3A_403] : memref<10240x128xf32, #tpu.memory_space<hbm>> -> memref<10240x128xf32, #tpu.memory_space<hbm>>
      tpu.enqueue_indirect_dma source(%dma_start3A_404 : memref<10240x128xf32, #tpu.memory_space<hbm>>) target(%arg12 : memref<96x128xf32, #tpu.memory_space<vmem>>) offsets(%dma_start3A_401 : memref<96xi32, #tpu.memory_space<vmem>>) semaphore(%arg21 : memref<!tpu.dma_semaphore, #tpu.memory_space<semaphore_mem>>)
      %dma_start3A_405 = arith.constant 0 : i32
      %dma_start3A_406 = tpu.memref_slice %arg11[%rem3A_313, %dma_start3A_405] : memref<8x96xi32, #tpu.memory_space<vmem>> -> memref<1x96xi32, #tpu.memory_space<vmem>>
      %dma_start3A_407 = tpu.memref_squeeze %dma_start3A_406 : memref<1x96xi32, #tpu.memory_space<vmem>> -> memref<96xi32, #tpu.memory_space<vmem>>
      %dma_start3A_408 = arith.constant 0 : i32
      %dma_start3A_409 = tpu.memref_slice %arg5[%dma_start3A_408] : memref<10240xf32, #tpu.memory_space<hbm>> -> memref<10240xf32, #tpu.memory_space<hbm>>
      tpu.enqueue_indirect_dma source(%dma_start3A_409 : memref<10240xf32, #tpu.memory_space<hbm>>) target(%arg15 : memref<96xf32, #tpu.memory_space<vmem>>) offsets(%dma_start3A_407 : memref<96xi32, #tpu.memory_space<vmem>>) semaphore(%arg24 : memref<!tpu.dma_semaphore, #tpu.memory_space<semaphore_mem>>)
      %mul3A_410 = arith.constant 3 : i32
      %mul3A_411 = arith.muli %mul3A_410, %scan3A_201 : i32
      %add3A_412 = arith.constant 2 : i32
      %add3A_413 = arith.addi %mul3A_411, %add3A_412 : i32
      %rem3A_414 = arith.constant 8 : i32
      %rem3A_415 = arith.remsi %add3A_413, %rem3A_414 : i32
      %add3A_416 = arith.constant 2 : i32
      %add3A_417 = arith.addi %add3A_413, %add3A_416 : i32
      %rem3A_418 = arith.constant 8 : i32
      %rem3A_419 = arith.remsi %add3A_417, %rem3A_418 : i32
      %add3A_420 = arith.constant 4 : i32
      %add3A_421 = arith.addi %add3A_413, %add3A_420 : i32
      %rem3A_422 = arith.constant 8 : i32
      %rem3A_423 = arith.remsi %add3A_421, %rem3A_422 : i32
      %dma_wait3A_424 = arith.constant 0 : i32
      %dma_wait3A_425 = tpu.memref_slice %arg10[%rem3A_415, %dma_wait3A_424] : memref<8x96xi32, #tpu.memory_space<vmem>> -> memref<1x96xi32, #tpu.memory_space<vmem>>
      %dma_wait3A_426 = tpu.memref_squeeze %dma_wait3A_425 : memref<1x96xi32, #tpu.memory_space<vmem>> -> memref<96xi32, #tpu.memory_space<vmem>>
      %dma_wait3A_427 = arith.constant 0 : i32
      %dma_wait3A_428 = arith.constant 0 : i32
      %dma_wait3A_429 = tpu.memref_slice %arg4[%dma_wait3A_427, %dma_wait3A_428] : memref<10240x128xf32, #tpu.memory_space<hbm>> -> memref<10240x128xf32, #tpu.memory_space<hbm>>
      tpu.wait_indirect_dma semaphore(%arg23 : memref<!tpu.dma_semaphore, #tpu.memory_space<semaphore_mem>>) src(%dma_wait3A_429 : memref<10240x128xf32, #tpu.memory_space<hbm>>) dst(%arg14 : memref<96x128xf32, #tpu.memory_space<vmem>>)
      %dma_start3A_430 = arith.constant 0 : i32
      %dma_start3A_431 = tpu.memref_slice %arg11[%rem3A_415, %dma_start3A_430] : memref<8x96xi32, #tpu.memory_space<vmem>> -> memref<1x96xi32, #tpu.memory_space<vmem>>
      %dma_start3A_432 = tpu.memref_squeeze %dma_start3A_431 : memref<1x96xi32, #tpu.memory_space<vmem>> -> memref<96xi32, #tpu.memory_space<vmem>>
      %dma_start3A_433 = arith.constant 0 : i32
      %dma_start3A_434 = arith.constant 0 : i32
      %dma_start3A_435 = tpu.memref_slice %arg18[%dma_start3A_433, %dma_start3A_434] : memref<10240x128xf32, #tpu.memory_space<vmem_shared>> -> memref<10240x128xf32, #tpu.memory_space<vmem_shared>>
      tpu.enqueue_indirect_dma source(%arg14 : memref<96x128xf32, #tpu.memory_space<vmem>>) target(%dma_start3A_435 : memref<10240x128xf32, #tpu.memory_space<vmem_shared>>) offsets(%dma_start3A_432 : memref<96xi32, #tpu.memory_space<vmem>>) semaphore(%arg29 : memref<!tpu.dma_semaphore, #tpu.memory_space<semaphore_mem>>) {add = true}
      %dma_wait3A_436 = arith.constant 0 : i32
      %dma_wait3A_437 = tpu.memref_slice %arg11[%rem3A_415, %dma_wait3A_436] : memref<8x96xi32, #tpu.memory_space<vmem>> -> memref<1x96xi32, #tpu.memory_space<vmem>>
      %dma_wait3A_438 = tpu.memref_squeeze %dma_wait3A_437 : memref<1x96xi32, #tpu.memory_space<vmem>> -> memref<96xi32, #tpu.memory_space<vmem>>
      %dma_wait3A_439 = arith.constant 0 : i32
      %dma_wait3A_440 = tpu.memref_slice %arg5[%dma_wait3A_439] : memref<10240xf32, #tpu.memory_space<hbm>> -> memref<10240xf32, #tpu.memory_space<hbm>>
      tpu.wait_indirect_dma semaphore(%arg26 : memref<!tpu.dma_semaphore, #tpu.memory_space<semaphore_mem>>) src(%dma_wait3A_440 : memref<10240xf32, #tpu.memory_space<hbm>>) dst(%arg17 : memref<96xf32, #tpu.memory_space<vmem>>)
      %dma_start3A_441 = arith.constant 0 : i32
      %dma_start3A_442 = tpu.memref_slice %arg10[%rem3A_415, %dma_start3A_441] : memref<8x96xi32, #tpu.memory_space<vmem>> -> memref<1x96xi32, #tpu.memory_space<vmem>>
      %dma_start3A_443 = tpu.memref_squeeze %dma_start3A_442 : memref<1x96xi32, #tpu.memory_space<vmem>> -> memref<96xi32, #tpu.memory_space<vmem>>
      %dma_start3A_444 = arith.constant 0 : i32
      %dma_start3A_445 = tpu.memref_slice %arg19[%dma_start3A_444] : memref<10240xf32, #tpu.memory_space<vmem_shared>> -> memref<10240xf32, #tpu.memory_space<vmem_shared>>
      tpu.enqueue_indirect_dma source(%arg17 : memref<96xf32, #tpu.memory_space<vmem>>) target(%dma_start3A_445 : memref<10240xf32, #tpu.memory_space<vmem_shared>>) offsets(%dma_start3A_443 : memref<96xi32, #tpu.memory_space<vmem>>) semaphore(%arg32 : memref<!tpu.dma_semaphore, #tpu.memory_space<semaphore_mem>>) {add = true}
      %gt3A_446 = arith.constant 0 : i32
      %gt3A_447 = arith.cmpi sgt, %add3A_413, %gt3A_446 : i32
      %convert_element_type3A_448 = arith.extui %gt3A_447 : i1 to i32
      %cond3A_449 = arith.constant 0 : i32
      %cond3A_450 = arith.cmpi ne, %convert_element_type3A_448, %cond3A_449 : i32
      scf.if %cond3A_450 {
        %dma_wait3A_516 = arith.constant 0 : i32
        %dma_wait3A_517 = tpu.memref_slice %arg11[%rem3A_415, %dma_wait3A_516] : memref<8x96xi32, #tpu.memory_space<vmem>> -> memref<1x96xi32, #tpu.memory_space<vmem>>
        %dma_wait3A_518 = tpu.memref_squeeze %dma_wait3A_517 : memref<1x96xi32, #tpu.memory_space<vmem>> -> memref<96xi32, #tpu.memory_space<vmem>>
        %dma_wait3A_519 = arith.constant 0 : i32
        %dma_wait3A_520 = arith.constant 0 : i32
        %dma_wait3A_521 = tpu.memref_slice %arg18[%dma_wait3A_519, %dma_wait3A_520] : memref<10240x128xf32, #tpu.memory_space<vmem_shared>> -> memref<10240x128xf32, #tpu.memory_space<vmem_shared>>
        tpu.wait_indirect_dma semaphore(%arg28 : memref<!tpu.dma_semaphore, #tpu.memory_space<semaphore_mem>>) src(%arg13 : memref<96x128xf32, #tpu.memory_space<vmem>>) dst(%dma_wait3A_521 : memref<10240x128xf32, #tpu.memory_space<vmem_shared>>)
        %dma_wait3A_522 = arith.constant 0 : i32
        %dma_wait3A_523 = tpu.memref_slice %arg10[%rem3A_415, %dma_wait3A_522] : memref<8x96xi32, #tpu.memory_space<vmem>> -> memref<1x96xi32, #tpu.memory_space<vmem>>
        %dma_wait3A_524 = tpu.memref_squeeze %dma_wait3A_523 : memref<1x96xi32, #tpu.memory_space<vmem>> -> memref<96xi32, #tpu.memory_space<vmem>>
        %dma_wait3A_525 = arith.constant 0 : i32
        %dma_wait3A_526 = tpu.memref_slice %arg19[%dma_wait3A_525] : memref<10240xf32, #tpu.memory_space<vmem_shared>> -> memref<10240xf32, #tpu.memory_space<vmem_shared>>
        tpu.wait_indirect_dma semaphore(%arg31 : memref<!tpu.dma_semaphore, #tpu.memory_space<semaphore_mem>>) src(%arg16 : memref<96xf32, #tpu.memory_space<vmem>>) dst(%dma_wait3A_526 : memref<10240xf32, #tpu.memory_space<vmem_shared>>)
      } else {
      }
      %add3A_451 = arith.constant 4 : i32
      %add3A_452 = arith.addi %add3A_413, %add3A_451 : i32
      %dma_start3A_453 = arith.constant 0 : i32
      %dma_start3A_454 = tpu.memref_slice %arg10[%rem3A_423, %dma_start3A_453] : memref<8x96xi32, #tpu.memory_space<vmem>> -> memref<1x96xi32, #tpu.memory_space<vmem>>
      %dma_start3A_455 = tpu.memref_squeeze %dma_start3A_454 : memref<1x96xi32, #tpu.memory_space<vmem>> -> memref<96xi32, #tpu.memory_space<vmem>>
      %dma_start3A_456 = arith.constant 0 : i32
      %dma_start3A_457 = tpu.memref_slice %arg2[%add3A, %add3A_452, %dma_start3A_456] : memref<32x109x96xi32, #tpu.memory_space<hbm>> -> memref<1x1x96xi32, #tpu.memory_space<hbm>>
      %dma_start3A_458 = tpu.memref_squeeze %dma_start3A_457 : memref<1x1x96xi32, #tpu.memory_space<hbm>> -> memref<96xi32, #tpu.memory_space<hbm>>
      %dma_start3A_459 = arith.constant 0 : i32
      %dma_start3A_460 = tpu.memref_slice %arg10[%rem3A_423, %dma_start3A_459] : memref<8x96xi32, #tpu.memory_space<vmem>> -> memref<1x96xi32, #tpu.memory_space<vmem>>
      %dma_start3A_461 = tpu.memref_squeeze %dma_start3A_460 : memref<1x96xi32, #tpu.memory_space<vmem>> -> memref<96xi32, #tpu.memory_space<vmem>>
      %dma_start3A_462 = arith.constant 0 : i32
      %dma_start3A_463 = tpu.memref_slice %arg2[%add3A, %add3A_452, %dma_start3A_462] : memref<32x109x96xi32, #tpu.memory_space<hbm>> -> memref<1x1x96xi32, #tpu.memory_space<hbm>>
      %dma_start3A_464 = tpu.memref_squeeze %dma_start3A_463 : memref<1x1x96xi32, #tpu.memory_space<hbm>> -> memref<96xi32, #tpu.memory_space<hbm>>
      tpu.enqueue_dma source(%dma_start3A_464 : memref<96xi32, #tpu.memory_space<hbm>>) target(%dma_start3A_461 : memref<96xi32, #tpu.memory_space<vmem>>) target_semaphore(%arg20 : memref<!tpu.dma_semaphore, #tpu.memory_space<semaphore_mem>>)
      %add3A_465 = arith.constant 4 : i32
      %add3A_466 = arith.addi %add3A_413, %add3A_465 : i32
      %dma_start3A_467 = arith.constant 0 : i32
      %dma_start3A_468 = tpu.memref_slice %arg11[%rem3A_423, %dma_start3A_467] : memref<8x96xi32, #tpu.memory_space<vmem>> -> memref<1x96xi32, #tpu.memory_space<vmem>>
      %dma_start3A_469 = tpu.memref_squeeze %dma_start3A_468 : memref<1x96xi32, #tpu.memory_space<vmem>> -> memref<96xi32, #tpu.memory_space<vmem>>
      %dma_start3A_470 = arith.constant 0 : i32
      %dma_start3A_471 = tpu.memref_slice %arg3[%add3A, %add3A_466, %dma_start3A_470] : memref<32x109x96xi32, #tpu.memory_space<hbm>> -> memref<1x1x96xi32, #tpu.memory_space<hbm>>
      %dma_start3A_472 = tpu.memref_squeeze %dma_start3A_471 : memref<1x1x96xi32, #tpu.memory_space<hbm>> -> memref<96xi32, #tpu.memory_space<hbm>>
      %dma_start3A_473 = arith.constant 0 : i32
      %dma_start3A_474 = tpu.memref_slice %arg11[%rem3A_423, %dma_start3A_473] : memref<8x96xi32, #tpu.memory_space<vmem>> -> memref<1x96xi32, #tpu.memory_space<vmem>>
      %dma_start3A_475 = tpu.memref_squeeze %dma_start3A_474 : memref<1x96xi32, #tpu.memory_space<vmem>> -> memref<96xi32, #tpu.memory_space<vmem>>
      %dma_start3A_476 = arith.constant 0 : i32
      %dma_start3A_477 = tpu.memref_slice %arg3[%add3A, %add3A_466, %dma_start3A_476] : memref<32x109x96xi32, #tpu.memory_space<hbm>> -> memref<1x1x96xi32, #tpu.memory_space<hbm>>
      %dma_start3A_478 = tpu.memref_squeeze %dma_start3A_477 : memref<1x1x96xi32, #tpu.memory_space<hbm>> -> memref<96xi32, #tpu.memory_space<hbm>>
      tpu.enqueue_dma source(%dma_start3A_478 : memref<96xi32, #tpu.memory_space<hbm>>) target(%dma_start3A_475 : memref<96xi32, #tpu.memory_space<vmem>>) target_semaphore(%arg20 : memref<!tpu.dma_semaphore, #tpu.memory_space<semaphore_mem>>)
      %dma_wait3A_479 = arith.constant 0 : i32
      %dma_wait3A_480 = arith.constant 0 : i32
      %dma_wait3A_481 = tpu.memref_slice %arg10[%rem3A_419, %dma_wait3A_480] : memref<8x96xi32, #tpu.memory_space<vmem>> -> memref<1x96xi32, #tpu.memory_space<vmem>>
      %dma_wait3A_482 = tpu.memref_squeeze %dma_wait3A_481 : memref<1x96xi32, #tpu.memory_space<vmem>> -> memref<96xi32, #tpu.memory_space<vmem>>
      %dma_wait3A_483 = arith.constant 0 : i32
      %dma_wait3A_484 = tpu.memref_slice %arg2[%add3A, %dma_wait3A_479, %dma_wait3A_483] : memref<32x109x96xi32, #tpu.memory_space<hbm>> -> memref<1x1x96xi32, #tpu.memory_space<hbm>>
      %dma_wait3A_485 = tpu.memref_squeeze %dma_wait3A_484 : memref<1x1x96xi32, #tpu.memory_space<hbm>> -> memref<96xi32, #tpu.memory_space<hbm>>
      %dma_wait3A_486 = arith.constant 0 : i32
      %dma_wait3A_487 = tpu.memref_slice %arg10[%rem3A_419, %dma_wait3A_486] : memref<8x96xi32, #tpu.memory_space<vmem>> -> memref<1x96xi32, #tpu.memory_space<vmem>>
      %dma_wait3A_488 = tpu.memref_squeeze %dma_wait3A_487 : memref<1x96xi32, #tpu.memory_space<vmem>> -> memref<96xi32, #tpu.memory_space<vmem>>
      %dma_wait3A_489 = arith.constant 0 : i32
      %dma_wait3A_490 = tpu.memref_slice %arg2[%add3A, %dma_wait3A_479, %dma_wait3A_489] : memref<32x109x96xi32, #tpu.memory_space<hbm>> -> memref<1x1x96xi32, #tpu.memory_space<hbm>>
      %dma_wait3A_491 = tpu.memref_squeeze %dma_wait3A_490 : memref<1x1x96xi32, #tpu.memory_space<hbm>> -> memref<96xi32, #tpu.memory_space<hbm>>
      tpu.wait_dma2 semaphore(%arg20 : memref<!tpu.dma_semaphore, #tpu.memory_space<semaphore_mem>>) src(%dma_wait3A_491 : memref<96xi32, #tpu.memory_space<hbm>>) dst(%dma_wait3A_488 : memref<96xi32, #tpu.memory_space<vmem>>)
      %dma_wait3A_492 = arith.constant 0 : i32
      %dma_wait3A_493 = arith.constant 0 : i32
      %dma_wait3A_494 = tpu.memref_slice %arg10[%rem3A_419, %dma_wait3A_493] : memref<8x96xi32, #tpu.memory_space<vmem>> -> memref<1x96xi32, #tpu.memory_space<vmem>>
      %dma_wait3A_495 = tpu.memref_squeeze %dma_wait3A_494 : memref<1x96xi32, #tpu.memory_space<vmem>> -> memref<96xi32, #tpu.memory_space<vmem>>
      %dma_wait3A_496 = arith.constant 0 : i32
      %dma_wait3A_497 = tpu.memref_slice %arg2[%add3A, %dma_wait3A_492, %dma_wait3A_496] : memref<32x109x96xi32, #tpu.memory_space<hbm>> -> memref<1x1x96xi32, #tpu.memory_space<hbm>>
      %dma_wait3A_498 = tpu.memref_squeeze %dma_wait3A_497 : memref<1x1x96xi32, #tpu.memory_space<hbm>> -> memref<96xi32, #tpu.memory_space<hbm>>
      %dma_wait3A_499 = arith.constant 0 : i32
      %dma_wait3A_500 = tpu.memref_slice %arg10[%rem3A_419, %dma_wait3A_499] : memref<8x96xi32, #tpu.memory_space<vmem>> -> memref<1x96xi32, #tpu.memory_space<vmem>>
      %dma_wait3A_501 = tpu.memref_squeeze %dma_wait3A_500 : memref<1x96xi32, #tpu.memory_space<vmem>> -> memref<96xi32, #tpu.memory_space<vmem>>
      %dma_wait3A_502 = arith.constant 0 : i32
      %dma_wait3A_503 = tpu.memref_slice %arg2[%add3A, %dma_wait3A_492, %dma_wait3A_502] : memref<32x109x96xi32, #tpu.memory_space<hbm>> -> memref<1x1x96xi32, #tpu.memory_space<hbm>>
      %dma_wait3A_504 = tpu.memref_squeeze %dma_wait3A_503 : memref<1x1x96xi32, #tpu.memory_space<hbm>> -> memref<96xi32, #tpu.memory_space<hbm>>
      tpu.wait_dma2 semaphore(%arg20 : memref<!tpu.dma_semaphore, #tpu.memory_space<semaphore_mem>>) src(%dma_wait3A_504 : memref<96xi32, #tpu.memory_space<hbm>>) dst(%dma_wait3A_501 : memref<96xi32, #tpu.memory_space<vmem>>)
      %dma_start3A_505 = arith.constant 0 : i32
      %dma_start3A_506 = tpu.memref_slice %arg10[%rem3A_419, %dma_start3A_505] : memref<8x96xi32, #tpu.memory_space<vmem>> -> memref<1x96xi32, #tpu.memory_space<vmem>>
      %dma_start3A_507 = tpu.memref_squeeze %dma_start3A_506 : memref<1x96xi32, #tpu.memory_space<vmem>> -> memref<96xi32, #tpu.memory_space<vmem>>
      %dma_start3A_508 = arith.constant 0 : i32
      %dma_start3A_509 = arith.constant 0 : i32
      %dma_start3A_510 = tpu.memref_slice %arg4[%dma_start3A_508, %dma_start3A_509] : memref<10240x128xf32, #tpu.memory_space<hbm>> -> memref<10240x128xf32, #tpu.memory_space<hbm>>
      tpu.enqueue_indirect_dma source(%dma_start3A_510 : memref<10240x128xf32, #tpu.memory_space<hbm>>) target(%arg13 : memref<96x128xf32, #tpu.memory_space<vmem>>) offsets(%dma_start3A_507 : memref<96xi32, #tpu.memory_space<vmem>>) semaphore(%arg22 : memref<!tpu.dma_semaphore, #tpu.memory_space<semaphore_mem>>)
      %dma_start3A_511 = arith.constant 0 : i32
      %dma_start3A_512 = tpu.memref_slice %arg11[%rem3A_419, %dma_start3A_511] : memref<8x96xi32, #tpu.memory_space<vmem>> -> memref<1x96xi32, #tpu.memory_space<vmem>>
      %dma_start3A_513 = tpu.memref_squeeze %dma_start3A_512 : memref<1x96xi32, #tpu.memory_space<vmem>> -> memref<96xi32, #tpu.memory_space<vmem>>
      %dma_start3A_514 = arith.constant 0 : i32
      %dma_start3A_515 = tpu.memref_slice %arg5[%dma_start3A_514] : memref<10240xf32, #tpu.memory_space<hbm>> -> memref<10240xf32, #tpu.memory_space<hbm>>
      tpu.enqueue_indirect_dma source(%dma_start3A_515 : memref<10240xf32, #tpu.memory_space<hbm>>) target(%arg16 : memref<96xf32, #tpu.memory_space<vmem>>) offsets(%dma_start3A_513 : memref<96xi32, #tpu.memory_space<vmem>>) semaphore(%arg25 : memref<!tpu.dma_semaphore, #tpu.memory_space<semaphore_mem>>)
    }
    %scan3A_97 = arith.constant 35 : i32
    %dma_wait3A = arith.constant 0 : i32
    %dma_wait3A_98 = arith.constant 0 : i32
    %dma_wait3A_99 = tpu.memref_slice %arg11[%dma_wait3A, %dma_wait3A_98] : memref<8x96xi32, #tpu.memory_space<vmem>> -> memref<1x96xi32, #tpu.memory_space<vmem>>
    %dma_wait3A_100 = tpu.memref_squeeze %dma_wait3A_99 : memref<1x96xi32, #tpu.memory_space<vmem>> -> memref<96xi32, #tpu.memory_space<vmem>>
    %dma_wait3A_101 = arith.constant 0 : i32
    %dma_wait3A_102 = arith.constant 0 : i32
    %dma_wait3A_103 = tpu.memref_slice %arg18[%dma_wait3A_101, %dma_wait3A_102] : memref<10240x128xf32, #tpu.memory_space<vmem_shared>> -> memref<10240x128xf32, #tpu.memory_space<vmem_shared>>
    tpu.wait_indirect_dma semaphore(%arg29 : memref<!tpu.dma_semaphore, #tpu.memory_space<semaphore_mem>>) src(%arg14 : memref<96x128xf32, #tpu.memory_space<vmem>>) dst(%dma_wait3A_103 : memref<10240x128xf32, #tpu.memory_space<vmem_shared>>)
    %dma_wait3A_104 = arith.constant 0 : i32
    %dma_wait3A_105 = arith.constant 0 : i32
    %dma_wait3A_106 = tpu.memref_slice %arg10[%dma_wait3A_104, %dma_wait3A_105] : memref<8x96xi32, #tpu.memory_space<vmem>> -> memref<1x96xi32, #tpu.memory_space<vmem>>
    %dma_wait3A_107 = tpu.memref_squeeze %dma_wait3A_106 : memref<1x96xi32, #tpu.memory_space<vmem>> -> memref<96xi32, #tpu.memory_space<vmem>>
    %dma_wait3A_108 = arith.constant 0 : i32
    %dma_wait3A_109 = tpu.memref_slice %arg19[%dma_wait3A_108] : memref<10240xf32, #tpu.memory_space<vmem_shared>> -> memref<10240xf32, #tpu.memory_space<vmem_shared>>
    tpu.wait_indirect_dma semaphore(%arg32 : memref<!tpu.dma_semaphore, #tpu.memory_space<semaphore_mem>>) src(%arg17 : memref<96xf32, #tpu.memory_space<vmem>>) dst(%dma_wait3A_109 : memref<10240xf32, #tpu.memory_space<vmem_shared>>)
    %dma_wait3A_110 = arith.constant 0 : i32
    %dma_wait3A_111 = arith.constant 0 : i32
    %dma_wait3A_112 = tpu.memref_slice %arg10[%dma_wait3A_110, %dma_wait3A_111] : memref<8x96xi32, #tpu.memory_space<vmem>> -> memref<1x96xi32, #tpu.memory_space<vmem>>
    %dma_wait3A_113 = tpu.memref_squeeze %dma_wait3A_112 : memref<1x96xi32, #tpu.memory_space<vmem>> -> memref<96xi32, #tpu.memory_space<vmem>>
    %dma_wait3A_114 = arith.constant 0 : i32
    %dma_wait3A_115 = arith.constant 0 : i32
    %dma_wait3A_116 = tpu.memref_slice %arg4[%dma_wait3A_114, %dma_wait3A_115] : memref<10240x128xf32, #tpu.memory_space<hbm>> -> memref<10240x128xf32, #tpu.memory_space<hbm>>
    tpu.wait_indirect_dma semaphore(%arg21 : memref<!tpu.dma_semaphore, #tpu.memory_space<semaphore_mem>>) src(%dma_wait3A_116 : memref<10240x128xf32, #tpu.memory_space<hbm>>) dst(%arg12 : memref<96x128xf32, #tpu.memory_space<vmem>>)
    %dma_wait3A_117 = arith.constant 0 : i32
    %dma_wait3A_118 = arith.constant 0 : i32
    %dma_wait3A_119 = tpu.memref_slice %arg11[%dma_wait3A_117, %dma_wait3A_118] : memref<8x96xi32, #tpu.memory_space<vmem>> -> memref<1x96xi32, #tpu.memory_space<vmem>>
    %dma_wait3A_120 = tpu.memref_squeeze %dma_wait3A_119 : memref<1x96xi32, #tpu.memory_space<vmem>> -> memref<96xi32, #tpu.memory_space<vmem>>
    %dma_wait3A_121 = arith.constant 0 : i32
    %dma_wait3A_122 = tpu.memref_slice %arg5[%dma_wait3A_121] : memref<10240xf32, #tpu.memory_space<hbm>> -> memref<10240xf32, #tpu.memory_space<hbm>>
    tpu.wait_indirect_dma semaphore(%arg24 : memref<!tpu.dma_semaphore, #tpu.memory_space<semaphore_mem>>) src(%dma_wait3A_122 : memref<10240xf32, #tpu.memory_space<hbm>>) dst(%arg15 : memref<96xf32, #tpu.memory_space<vmem>>)
    %dma_wait3A_123 = arith.constant 1 : i32
    %dma_wait3A_124 = arith.constant 0 : i32
    %dma_wait3A_125 = tpu.memref_slice %arg10[%dma_wait3A_123, %dma_wait3A_124] : memref<8x96xi32, #tpu.memory_space<vmem>> -> memref<1x96xi32, #tpu.memory_space<vmem>>
    %dma_wait3A_126 = tpu.memref_squeeze %dma_wait3A_125 : memref<1x96xi32, #tpu.memory_space<vmem>> -> memref<96xi32, #tpu.memory_space<vmem>>
    %dma_wait3A_127 = arith.constant 0 : i32
    %dma_wait3A_128 = arith.constant 0 : i32
    %dma_wait3A_129 = tpu.memref_slice %arg4[%dma_wait3A_127, %dma_wait3A_128] : memref<10240x128xf32, #tpu.memory_space<hbm>> -> memref<10240x128xf32, #tpu.memory_space<hbm>>
    tpu.wait_indirect_dma semaphore(%arg22 : memref<!tpu.dma_semaphore, #tpu.memory_space<semaphore_mem>>) src(%dma_wait3A_129 : memref<10240x128xf32, #tpu.memory_space<hbm>>) dst(%arg13 : memref<96x128xf32, #tpu.memory_space<vmem>>)
    %dma_wait3A_130 = arith.constant 1 : i32
    %dma_wait3A_131 = arith.constant 0 : i32
    %dma_wait3A_132 = tpu.memref_slice %arg11[%dma_wait3A_130, %dma_wait3A_131] : memref<8x96xi32, #tpu.memory_space<vmem>> -> memref<1x96xi32, #tpu.memory_space<vmem>>
    %dma_wait3A_133 = tpu.memref_squeeze %dma_wait3A_132 : memref<1x96xi32, #tpu.memory_space<vmem>> -> memref<96xi32, #tpu.memory_space<vmem>>
    %dma_wait3A_134 = arith.constant 0 : i32
    %dma_wait3A_135 = tpu.memref_slice %arg5[%dma_wait3A_134] : memref<10240xf32, #tpu.memory_space<hbm>> -> memref<10240xf32, #tpu.memory_space<hbm>>
    tpu.wait_indirect_dma semaphore(%arg25 : memref<!tpu.dma_semaphore, #tpu.memory_space<semaphore_mem>>) src(%dma_wait3A_135 : memref<10240xf32, #tpu.memory_space<hbm>>) dst(%arg16 : memref<96xf32, #tpu.memory_space<vmem>>)
    %dma_wait3A_136 = arith.constant 0 : i32
    %dma_wait3A_137 = arith.constant 0 : i32
    %dma_wait3A_138 = arith.constant 0 : i32
    %dma_wait3A_139 = tpu.memref_slice %arg10[%dma_wait3A_137, %dma_wait3A_138] : memref<8x96xi32, #tpu.memory_space<vmem>> -> memref<1x96xi32, #tpu.memory_space<vmem>>
    %dma_wait3A_140 = tpu.memref_squeeze %dma_wait3A_139 : memref<1x96xi32, #tpu.memory_space<vmem>> -> memref<96xi32, #tpu.memory_space<vmem>>
    %dma_wait3A_141 = arith.constant 0 : i32
    %dma_wait3A_142 = tpu.memref_slice %arg2[%add3A, %dma_wait3A_136, %dma_wait3A_141] : memref<32x109x96xi32, #tpu.memory_space<hbm>> -> memref<1x1x96xi32, #tpu.memory_space<hbm>>
    %dma_wait3A_143 = tpu.memref_squeeze %dma_wait3A_142 : memref<1x1x96xi32, #tpu.memory_space<hbm>> -> memref<96xi32, #tpu.memory_space<hbm>>
    %dma_wait3A_144 = arith.constant 0 : i32
    %dma_wait3A_145 = tpu.memref_slice %arg10[%dma_wait3A_137, %dma_wait3A_144] : memref<8x96xi32, #tpu.memory_space<vmem>> -> memref<1x96xi32, #tpu.memory_space<vmem>>
    %dma_wait3A_146 = tpu.memref_squeeze %dma_wait3A_145 : memref<1x96xi32, #tpu.memory_space<vmem>> -> memref<96xi32, #tpu.memory_space<vmem>>
    %dma_wait3A_147 = arith.constant 0 : i32
    %dma_wait3A_148 = tpu.memref_slice %arg2[%add3A, %dma_wait3A_136, %dma_wait3A_147] : memref<32x109x96xi32, #tpu.memory_space<hbm>> -> memref<1x1x96xi32, #tpu.memory_space<hbm>>
    %dma_wait3A_149 = tpu.memref_squeeze %dma_wait3A_148 : memref<1x1x96xi32, #tpu.memory_space<hbm>> -> memref<96xi32, #tpu.memory_space<hbm>>
    tpu.wait_dma2 semaphore(%arg20 : memref<!tpu.dma_semaphore, #tpu.memory_space<semaphore_mem>>) src(%dma_wait3A_149 : memref<96xi32, #tpu.memory_space<hbm>>) dst(%dma_wait3A_146 : memref<96xi32, #tpu.memory_space<vmem>>)
    %dma_wait3A_150 = arith.constant 0 : i32
    %dma_wait3A_151 = arith.constant 0 : i32
    %dma_wait3A_152 = arith.constant 0 : i32
    %dma_wait3A_153 = tpu.memref_slice %arg10[%dma_wait3A_151, %dma_wait3A_152] : memref<8x96xi32, #tpu.memory_space<vmem>> -> memref<1x96xi32, #tpu.memory_space<vmem>>
    %dma_wait3A_154 = tpu.memref_squeeze %dma_wait3A_153 : memref<1x96xi32, #tpu.memory_space<vmem>> -> memref<96xi32, #tpu.memory_space<vmem>>
    %dma_wait3A_155 = arith.constant 0 : i32
    %dma_wait3A_156 = tpu.memref_slice %arg2[%add3A, %dma_wait3A_150, %dma_wait3A_155] : memref<32x109x96xi32, #tpu.memory_space<hbm>> -> memref<1x1x96xi32, #tpu.memory_space<hbm>>
    %dma_wait3A_157 = tpu.memref_squeeze %dma_wait3A_156 : memref<1x1x96xi32, #tpu.memory_space<hbm>> -> memref<96xi32, #tpu.memory_space<hbm>>
    %dma_wait3A_158 = arith.constant 0 : i32
    %dma_wait3A_159 = tpu.memref_slice %arg10[%dma_wait3A_151, %dma_wait3A_158] : memref<8x96xi32, #tpu.memory_space<vmem>> -> memref<1x96xi32, #tpu.memory_space<vmem>>
    %dma_wait3A_160 = tpu.memref_squeeze %dma_wait3A_159 : memref<1x96xi32, #tpu.memory_space<vmem>> -> memref<96xi32, #tpu.memory_space<vmem>>
    %dma_wait3A_161 = arith.constant 0 : i32
    %dma_wait3A_162 = tpu.memref_slice %arg2[%add3A, %dma_wait3A_150, %dma_wait3A_161] : memref<32x109x96xi32, #tpu.memory_space<hbm>> -> memref<1x1x96xi32, #tpu.memory_space<hbm>>
    %dma_wait3A_163 = tpu.memref_squeeze %dma_wait3A_162 : memref<1x1x96xi32, #tpu.memory_space<hbm>> -> memref<96xi32, #tpu.memory_space<hbm>>
    tpu.wait_dma2 semaphore(%arg20 : memref<!tpu.dma_semaphore, #tpu.memory_space<semaphore_mem>>) src(%dma_wait3A_163 : memref<96xi32, #tpu.memory_space<hbm>>) dst(%dma_wait3A_160 : memref<96xi32, #tpu.memory_space<vmem>>)
    %dma_wait3A_164 = arith.constant 0 : i32
    %dma_wait3A_165 = arith.constant 0 : i32
    %dma_wait3A_166 = arith.constant 0 : i32
    %dma_wait3A_167 = tpu.memref_slice %arg10[%dma_wait3A_165, %dma_wait3A_166] : memref<8x96xi32, #tpu.memory_space<vmem>> -> memref<1x96xi32, #tpu.memory_space<vmem>>
    %dma_wait3A_168 = tpu.memref_squeeze %dma_wait3A_167 : memref<1x96xi32, #tpu.memory_space<vmem>> -> memref<96xi32, #tpu.memory_space<vmem>>
    %dma_wait3A_169 = arith.constant 0 : i32
    %dma_wait3A_170 = tpu.memref_slice %arg2[%add3A, %dma_wait3A_164, %dma_wait3A_169] : memref<32x109x96xi32, #tpu.memory_space<hbm>> -> memref<1x1x96xi32, #tpu.memory_space<hbm>>
    %dma_wait3A_171 = tpu.memref_squeeze %dma_wait3A_170 : memref<1x1x96xi32, #tpu.memory_space<hbm>> -> memref<96xi32, #tpu.memory_space<hbm>>
    %dma_wait3A_172 = arith.constant 0 : i32
    %dma_wait3A_173 = tpu.memref_slice %arg10[%dma_wait3A_165, %dma_wait3A_172] : memref<8x96xi32, #tpu.memory_space<vmem>> -> memref<1x96xi32, #tpu.memory_space<vmem>>
    %dma_wait3A_174 = tpu.memref_squeeze %dma_wait3A_173 : memref<1x96xi32, #tpu.memory_space<vmem>> -> memref<96xi32, #tpu.memory_space<vmem>>
    %dma_wait3A_175 = arith.constant 0 : i32
    %dma_wait3A_176 = tpu.memref_slice %arg2[%add3A, %dma_wait3A_164, %dma_wait3A_175] : memref<32x109x96xi32, #tpu.memory_space<hbm>> -> memref<1x1x96xi32, #tpu.memory_space<hbm>>
    %dma_wait3A_177 = tpu.memref_squeeze %dma_wait3A_176 : memref<1x1x96xi32, #tpu.memory_space<hbm>> -> memref<96xi32, #tpu.memory_space<hbm>>
    tpu.wait_dma2 semaphore(%arg20 : memref<!tpu.dma_semaphore, #tpu.memory_space<semaphore_mem>>) src(%dma_wait3A_177 : memref<96xi32, #tpu.memory_space<hbm>>) dst(%dma_wait3A_174 : memref<96xi32, #tpu.memory_space<vmem>>)
    %dma_wait3A_178 = arith.constant 0 : i32
    %dma_wait3A_179 = arith.constant 0 : i32
    %dma_wait3A_180 = arith.constant 0 : i32
    %dma_wait3A_181 = tpu.memref_slice %arg10[%dma_wait3A_179, %dma_wait3A_180] : memref<8x96xi32, #tpu.memory_space<vmem>> -> memref<1x96xi32, #tpu.memory_space<vmem>>
    %dma_wait3A_182 = tpu.memref_squeeze %dma_wait3A_181 : memref<1x96xi32, #tpu.memory_space<vmem>> -> memref<96xi32, #tpu.memory_space<vmem>>
    %dma_wait3A_183 = arith.constant 0 : i32
    %dma_wait3A_184 = tpu.memref_slice %arg2[%add3A, %dma_wait3A_178, %dma_wait3A_183] : memref<32x109x96xi32, #tpu.memory_space<hbm>> -> memref<1x1x96xi32, #tpu.memory_space<hbm>>
    %dma_wait3A_185 = tpu.memref_squeeze %dma_wait3A_184 : memref<1x1x96xi32, #tpu.memory_space<hbm>> -> memref<96xi32, #tpu.memory_space<hbm>>
    %dma_wait3A_186 = arith.constant 0 : i32
    %dma_wait3A_187 = tpu.memref_slice %arg10[%dma_wait3A_179, %dma_wait3A_186] : memref<8x96xi32, #tpu.memory_space<vmem>> -> memref<1x96xi32, #tpu.memory_space<vmem>>
    %dma_wait3A_188 = tpu.memref_squeeze %dma_wait3A_187 : memref<1x96xi32, #tpu.memory_space<vmem>> -> memref<96xi32, #tpu.memory_space<vmem>>
    %dma_wait3A_189 = arith.constant 0 : i32
    %dma_wait3A_190 = tpu.memref_slice %arg2[%add3A, %dma_wait3A_178, %dma_wait3A_189] : memref<32x109x96xi32, #tpu.memory_space<hbm>> -> memref<1x1x96xi32, #tpu.memory_space<hbm>>
    %dma_wait3A_191 = tpu.memref_squeeze %dma_wait3A_190 : memref<1x1x96xi32, #tpu.memory_space<hbm>> -> memref<96xi32, #tpu.memory_space<hbm>>
    tpu.wait_dma2 semaphore(%arg20 : memref<!tpu.dma_semaphore, #tpu.memory_space<semaphore_mem>>) src(%dma_wait3A_191 : memref<96xi32, #tpu.memory_space<hbm>>) dst(%dma_wait3A_188 : memref<96xi32, #tpu.memory_space<vmem>>)
    %barrier3A_192 = arith.constant 0 : index
    tpu.barrier barrier_id(%barrier3A_192)
    %mul3A_193 = arith.constant 640 : i32
    %mul3A_194 = arith.muli %arg1, %mul3A_193 : i32
    %mul3A_195 = arith.constant 640 : i32
    %mul3A_196 = arith.muli %arg1, %mul3A_195 : i32
    "tpu.region"() ({
      %run_scoped3A_201 = tpu.sem_alloc : memref<!tpu.dma_semaphore, #tpu.memory_space<semaphore_mem>>
      %dma_start3A_202 = arith.constant 0 : i32
      %dma_start3A_203 = tpu.memref_slice %arg8[%arg0, %mul3A_196, %dma_start3A_202] : memref<2x10240x128xf32, #tpu.memory_space<hbm>> -> memref<1x640x128xf32, #tpu.memory_space<hbm>>
      %dma_start3A_204 = tpu.memref_squeeze %dma_start3A_203 : memref<1x640x128xf32, #tpu.memory_space<hbm>> -> memref<640x128xf32, #tpu.memory_space<hbm>>
      %dma_start3A_205 = arith.constant 0 : i32
      %dma_start3A_206 = tpu.memref_slice %arg18[%mul3A_194, %dma_start3A_205] : memref<10240x128xf32, #tpu.memory_space<vmem_shared>> -> memref<640x128xf32, #tpu.memory_space<vmem_shared>>
      tpu.enqueue_dma source(%dma_start3A_206 : memref<640x128xf32, #tpu.memory_space<vmem_shared>>) target(%dma_start3A_204 : memref<640x128xf32, #tpu.memory_space<hbm>>) target_semaphore(%run_scoped3A_201 : memref<!tpu.dma_semaphore, #tpu.memory_space<semaphore_mem>>)
      %dma_wait3A_207 = arith.constant 0 : i32
      %dma_wait3A_208 = tpu.memref_slice %arg8[%arg0, %mul3A_196, %dma_wait3A_207] : memref<2x10240x128xf32, #tpu.memory_space<hbm>> -> memref<1x640x128xf32, #tpu.memory_space<hbm>>
      %dma_wait3A_209 = tpu.memref_squeeze %dma_wait3A_208 : memref<1x640x128xf32, #tpu.memory_space<hbm>> -> memref<640x128xf32, #tpu.memory_space<hbm>>
      %dma_wait3A_210 = arith.constant 0 : i32
      %dma_wait3A_211 = tpu.memref_slice %arg18[%mul3A_194, %dma_wait3A_210] : memref<10240x128xf32, #tpu.memory_space<vmem_shared>> -> memref<640x128xf32, #tpu.memory_space<vmem_shared>>
      tpu.wait_dma2 semaphore(%run_scoped3A_201 : memref<!tpu.dma_semaphore, #tpu.memory_space<semaphore_mem>>) src(%dma_wait3A_211 : memref<640x128xf32, #tpu.memory_space<vmem_shared>>) dst(%dma_wait3A_209 : memref<640x128xf32, #tpu.memory_space<hbm>>)
      tpu.yield
    }) : () -> ()
    %mul3A_197 = arith.constant 640 : i32
    %mul3A_198 = arith.muli %arg1, %mul3A_197 : i32
    %mul3A_199 = arith.constant 640 : i32
    %mul3A_200 = arith.muli %arg1, %mul3A_199 : i32
    "tpu.region"() ({
      %run_scoped3A_201 = tpu.sem_alloc : memref<!tpu.dma_semaphore, #tpu.memory_space<semaphore_mem>>
      %dma_start3A_202 = tpu.memref_slice %arg9[%arg0, %mul3A_200] : memref<2x10240xf32, #tpu.memory_space<hbm>> -> memref<1x640xf32, #tpu.memory_space<hbm>>
      %dma_start3A_203 = tpu.memref_squeeze %dma_start3A_202 : memref<1x640xf32, #tpu.memory_space<hbm>> -> memref<640xf32, #tpu.memory_space<hbm>>
      %dma_start3A_204 = tpu.memref_slice %arg19[%mul3A_198] : memref<10240xf32, #tpu.memory_space<vmem_shared>> -> memref<640xf32, #tpu.memory_space<vmem_shared>>
      tpu.enqueue_dma source(%dma_start3A_204 : memref<640xf32, #tpu.memory_space<vmem_shared>>) target(%dma_start3A_203 : memref<640xf32, #tpu.memory_space<hbm>>) target_semaphore(%run_scoped3A_201 : memref<!tpu.dma_semaphore, #tpu.memory_space<semaphore_mem>>)
      %dma_wait3A_205 = tpu.memref_slice %arg9[%arg0, %mul3A_200] : memref<2x10240xf32, #tpu.memory_space<hbm>> -> memref<1x640xf32, #tpu.memory_space<hbm>>
      %dma_wait3A_206 = tpu.memref_squeeze %dma_wait3A_205 : memref<1x640xf32, #tpu.memory_space<hbm>> -> memref<640xf32, #tpu.memory_space<hbm>>
      %dma_wait3A_207 = tpu.memref_slice %arg19[%mul3A_198] : memref<10240xf32, #tpu.memory_space<vmem_shared>> -> memref<640xf32, #tpu.memory_space<vmem_shared>>
      tpu.wait_dma2 semaphore(%run_scoped3A_201 : memref<!tpu.dma_semaphore, #tpu.memory_space<semaphore_mem>>) src(%dma_wait3A_207 : memref<640xf32, #tpu.memory_space<vmem_shared>>) dst(%dma_wait3A_206 : memref<640xf32, #tpu.memory_space<hbm>>)
      tpu.yield
    }) : () -> ()
    return
  }
}

#map = affine_map<(d0, d1) -> (0, 0, 0)>
#map1 = affine_map<(d0, d1) -> (0)>
#map2 = affine_map<(d0, d1) -> (0, 0)>
module attributes {stable_mosaic.version = 14 : i64} {
  func.func @_deg_body(%arg0: i32, %arg1: i32, %arg2: memref<32x109x96xi32, #tpu.memory_space<hbm>>, %arg3: memref<640xf32, #tpu.memory_space<hbm>>, %arg4: memref<2x10240xf32, #tpu.memory_space<hbm>>, %arg5: memref<109x96xi32, #tpu.memory_space<vmem>>, %arg6: memref<96xf32, #tpu.memory_space<vmem>>, %arg7: memref<10240xf32, #tpu.memory_space<vmem_shared>>, %arg8: memref<!tpu.dma_semaphore, #tpu.memory_space<semaphore_mem>>) attributes {dimension_semantics = [#tpu.dimension_semantics<core_parallel>, #tpu.dimension_semantics<subcore_parallel>], iteration_bounds = array<i64: 2, 16>, scalar_prefetch = 0 : i64, scratch_operands = 4 : i64, tpu.core_type = #tpu.core_type<sc_vector_subcore>, window_params = [{transform_indices = #map}, {transform_indices = #map1}, {transform_indices = #map2}]} {
    %mul3A = arith.constant 16 : i32
    %mul3A_0 = arith.muli %arg0, %mul3A : i32
    %add3A = arith.addi %mul3A_0, %arg1 : i32
    %mul3A_1 = arith.constant 640 : i32
    %mul3A_2 = arith.muli %arg1, %mul3A_1 : i32
    "tpu.region"() ({
      %run_scoped3A = tpu.sem_alloc : memref<!tpu.dma_semaphore, #tpu.memory_space<semaphore_mem>>
      %dma_start3A = tpu.memref_slice %arg7[%mul3A_2] : memref<10240xf32, #tpu.memory_space<vmem_shared>> -> memref<640xf32, #tpu.memory_space<vmem_shared>>
      tpu.enqueue_dma source(%arg3 : memref<640xf32, #tpu.memory_space<hbm>>) target(%dma_start3A : memref<640xf32, #tpu.memory_space<vmem_shared>>) target_semaphore(%run_scoped3A : memref<!tpu.dma_semaphore, #tpu.memory_space<semaphore_mem>>)
      %dma_wait3A = tpu.memref_slice %arg7[%mul3A_2] : memref<10240xf32, #tpu.memory_space<vmem_shared>> -> memref<640xf32, #tpu.memory_space<vmem_shared>>
      tpu.wait_dma2 semaphore(%run_scoped3A : memref<!tpu.dma_semaphore, #tpu.memory_space<semaphore_mem>>) src(%arg3 : memref<640xf32, #tpu.memory_space<hbm>>) dst(%dma_wait3A : memref<640xf32, #tpu.memory_space<vmem_shared>>)
      tpu.yield
    }) : () -> ()
    "tpu.region"() ({
      %run_scoped3A = tpu.sem_alloc : memref<!tpu.dma_semaphore, #tpu.memory_space<semaphore_mem>>
      %dma_start3A = arith.constant 0 : i32
      %dma_start3A_53 = arith.constant 0 : i32
      %dma_start3A_54 = tpu.memref_slice %arg2[%add3A, %dma_start3A, %dma_start3A_53] : memref<32x109x96xi32, #tpu.memory_space<hbm>> -> memref<1x109x96xi32, #tpu.memory_space<hbm>>
      %dma_start3A_55 = tpu.memref_squeeze %dma_start3A_54 : memref<1x109x96xi32, #tpu.memory_space<hbm>> -> memref<109x96xi32, #tpu.memory_space<hbm>>
      %dma_start3A_56 = arith.constant 0 : i32
      %dma_start3A_57 = arith.constant 0 : i32
      %dma_start3A_58 = tpu.memref_slice %arg2[%add3A, %dma_start3A_56, %dma_start3A_57] : memref<32x109x96xi32, #tpu.memory_space<hbm>> -> memref<1x109x96xi32, #tpu.memory_space<hbm>>
      %dma_start3A_59 = tpu.memref_squeeze %dma_start3A_58 : memref<1x109x96xi32, #tpu.memory_space<hbm>> -> memref<109x96xi32, #tpu.memory_space<hbm>>
      tpu.enqueue_dma source(%dma_start3A_59 : memref<109x96xi32, #tpu.memory_space<hbm>>) target(%arg5 : memref<109x96xi32, #tpu.memory_space<vmem>>) target_semaphore(%run_scoped3A : memref<!tpu.dma_semaphore, #tpu.memory_space<semaphore_mem>>)
      %dma_wait3A = arith.constant 0 : i32
      %dma_wait3A_60 = arith.constant 0 : i32
      %dma_wait3A_61 = tpu.memref_slice %arg2[%add3A, %dma_wait3A, %dma_wait3A_60] : memref<32x109x96xi32, #tpu.memory_space<hbm>> -> memref<1x109x96xi32, #tpu.memory_space<hbm>>
      %dma_wait3A_62 = tpu.memref_squeeze %dma_wait3A_61 : memref<1x109x96xi32, #tpu.memory_space<hbm>> -> memref<109x96xi32, #tpu.memory_space<hbm>>
      %dma_wait3A_63 = arith.constant 0 : i32
      %dma_wait3A_64 = arith.constant 0 : i32
      %dma_wait3A_65 = tpu.memref_slice %arg2[%add3A, %dma_wait3A_63, %dma_wait3A_64] : memref<32x109x96xi32, #tpu.memory_space<hbm>> -> memref<1x109x96xi32, #tpu.memory_space<hbm>>
      %dma_wait3A_66 = tpu.memref_squeeze %dma_wait3A_65 : memref<1x109x96xi32, #tpu.memory_space<hbm>> -> memref<109x96xi32, #tpu.memory_space<hbm>>
      tpu.wait_dma2 semaphore(%run_scoped3A : memref<!tpu.dma_semaphore, #tpu.memory_space<semaphore_mem>>) src(%dma_wait3A_66 : memref<109x96xi32, #tpu.memory_space<hbm>>) dst(%arg5 : memref<109x96xi32, #tpu.memory_space<vmem>>)
      tpu.yield
    }) : () -> ()
    %broadcast_in_dim3A = arith.constant 1.000000e+00 : f32
    %broadcast_in_dim3A_3 = vector.broadcast %broadcast_in_dim3A : f32 to vector<16xf32>
    %swap3A = arith.constant 0 : index
    %swap3A_4 = tpu.vector_load %arg6[%swap3A] {strides = array<i32>} : memref<96xf32, #tpu.memory_space<vmem>>, vector<16xf32>,
    %swap3A_5 = vector.shape_cast %swap3A_4 : vector<16xf32> to vector<16xf32>
    %swap3A_6 = vector.shape_cast %broadcast_in_dim3A_3 : vector<16xf32> to vector<16xf32>
    tpu.vector_store %arg6[%swap3A], %swap3A_6 {strides = array<i32>} : memref<96xf32, #tpu.memory_space<vmem>>, vector<16xf32>,
    %broadcast_in_dim3A_7 = arith.constant 1.000000e+00 : f32
    %broadcast_in_dim3A_8 = vector.broadcast %broadcast_in_dim3A_7 : f32 to vector<16xf32>
    %swap3A_9 = arith.constant 16 : index
    %swap3A_10 = tpu.vector_load %arg6[%swap3A_9] {strides = array<i32>} : memref<96xf32, #tpu.memory_space<vmem>>, vector<16xf32>,
    %swap3A_11 = vector.shape_cast %swap3A_10 : vector<16xf32> to vector<16xf32>
    %swap3A_12 = vector.shape_cast %broadcast_in_dim3A_8 : vector<16xf32> to vector<16xf32>
    tpu.vector_store %arg6[%swap3A_9], %swap3A_12 {strides = array<i32>} : memref<96xf32, #tpu.memory_space<vmem>>, vector<16xf32>,
    %broadcast_in_dim3A_13 = arith.constant 1.000000e+00 : f32
    %broadcast_in_dim3A_14 = vector.broadcast %broadcast_in_dim3A_13 : f32 to vector<16xf32>
    %swap3A_15 = arith.constant 32 : index
    %swap3A_16 = tpu.vector_load %arg6[%swap3A_15] {strides = array<i32>} : memref<96xf32, #tpu.memory_space<vmem>>, vector<16xf32>,
    %swap3A_17 = vector.shape_cast %swap3A_16 : vector<16xf32> to vector<16xf32>
    %swap3A_18 = vector.shape_cast %broadcast_in_dim3A_14 : vector<16xf32> to vector<16xf32>
    tpu.vector_store %arg6[%swap3A_15], %swap3A_18 {strides = array<i32>} : memref<96xf32, #tpu.memory_space<vmem>>, vector<16xf32>,
    %broadcast_in_dim3A_19 = arith.constant 1.000000e+00 : f32
    %broadcast_in_dim3A_20 = vector.broadcast %broadcast_in_dim3A_19 : f32 to vector<16xf32>
    %swap3A_21 = arith.constant 48 : index
    %swap3A_22 = tpu.vector_load %arg6[%swap3A_21] {strides = array<i32>} : memref<96xf32, #tpu.memory_space<vmem>>, vector<16xf32>,
    %swap3A_23 = vector.shape_cast %swap3A_22 : vector<16xf32> to vector<16xf32>
    %swap3A_24 = vector.shape_cast %broadcast_in_dim3A_20 : vector<16xf32> to vector<16xf32>
    tpu.vector_store %arg6[%swap3A_21], %swap3A_24 {strides = array<i32>} : memref<96xf32, #tpu.memory_space<vmem>>, vector<16xf32>,
    %broadcast_in_dim3A_25 = arith.constant 1.000000e+00 : f32
    %broadcast_in_dim3A_26 = vector.broadcast %broadcast_in_dim3A_25 : f32 to vector<16xf32>
    %swap3A_27 = arith.constant 64 : index
    %swap3A_28 = tpu.vector_load %arg6[%swap3A_27] {strides = array<i32>} : memref<96xf32, #tpu.memory_space<vmem>>, vector<16xf32>,
    %swap3A_29 = vector.shape_cast %swap3A_28 : vector<16xf32> to vector<16xf32>
    %swap3A_30 = vector.shape_cast %broadcast_in_dim3A_26 : vector<16xf32> to vector<16xf32>
    tpu.vector_store %arg6[%swap3A_27], %swap3A_30 {strides = array<i32>} : memref<96xf32, #tpu.memory_space<vmem>>, vector<16xf32>,
    %broadcast_in_dim3A_31 = arith.constant 1.000000e+00 : f32
    %broadcast_in_dim3A_32 = vector.broadcast %broadcast_in_dim3A_31 : f32 to vector<16xf32>
    %swap3A_33 = arith.constant 80 : index
    %swap3A_34 = tpu.vector_load %arg6[%swap3A_33] {strides = array<i32>} : memref<96xf32, #tpu.memory_space<vmem>>, vector<16xf32>,
    %swap3A_35 = vector.shape_cast %swap3A_34 : vector<16xf32> to vector<16xf32>
    %swap3A_36 = vector.shape_cast %broadcast_in_dim3A_32 : vector<16xf32> to vector<16xf32>
    tpu.vector_store %arg6[%swap3A_33], %swap3A_36 {strides = array<i32>} : memref<96xf32, #tpu.memory_space<vmem>>, vector<16xf32>,
    %barrier3A = arith.constant 0 : index
    tpu.barrier barrier_id(%barrier3A)
    %scan3A = arith.constant 0 : i32
    %scan3A_37 = arith.constant 0 : i32
    %scan3A_38 = arith.constant 105 : i32
    %scan3A_39 = arith.addi %scan3A_37, %scan3A_38 : i32
    %scan3A_40 = arith.constant 1 : i32
    scf.for %scan3A_53 = %scan3A_37 to %scan3A_39 step %scan3A_40  : i32 {
      %dma_start3A = arith.constant 0 : i32
      %dma_start3A_54 = tpu.memref_slice %arg5[%scan3A_53, %dma_start3A] : memref<109x96xi32, #tpu.memory_space<vmem>> -> memref<1x96xi32, #tpu.memory_space<vmem>>
      %dma_start3A_55 = tpu.memref_squeeze %dma_start3A_54 : memref<1x96xi32, #tpu.memory_space<vmem>> -> memref<96xi32, #tpu.memory_space<vmem>>
      %dma_start3A_56 = arith.constant 0 : i32
      %dma_start3A_57 = tpu.memref_slice %arg7[%dma_start3A_56] : memref<10240xf32, #tpu.memory_space<vmem_shared>> -> memref<10240xf32, #tpu.memory_space<vmem_shared>>
      tpu.enqueue_indirect_dma source(%arg6 : memref<96xf32, #tpu.memory_space<vmem>>) target(%dma_start3A_57 : memref<10240xf32, #tpu.memory_space<vmem_shared>>) offsets(%dma_start3A_55 : memref<96xi32, #tpu.memory_space<vmem>>) semaphore(%arg8 : memref<!tpu.dma_semaphore, #tpu.memory_space<semaphore_mem>>) {add = true}
    }
    %scan3A_41 = arith.constant 105 : i32
    %scan3A_42 = arith.constant 0 : i32
    %scan3A_43 = arith.constant 0 : i32
    %scan3A_44 = arith.constant 105 : i32
    %scan3A_45 = arith.addi %scan3A_43, %scan3A_44 : i32
    %scan3A_46 = arith.constant 1 : i32
    scf.for %scan3A_53 = %scan3A_43 to %scan3A_45 step %scan3A_46  : i32 {
      %dma_wait3A = arith.constant 0 : i32
      %dma_wait3A_54 = arith.constant 0 : i32
      %dma_wait3A_55 = tpu.memref_slice %arg5[%dma_wait3A, %dma_wait3A_54] : memref<109x96xi32, #tpu.memory_space<vmem>> -> memref<1x96xi32, #tpu.memory_space<vmem>>
      %dma_wait3A_56 = tpu.memref_squeeze %dma_wait3A_55 : memref<1x96xi32, #tpu.memory_space<vmem>> -> memref<96xi32, #tpu.memory_space<vmem>>
      %dma_wait3A_57 = arith.constant 0 : i32
      %dma_wait3A_58 = tpu.memref_slice %arg7[%dma_wait3A_57] : memref<10240xf32, #tpu.memory_space<vmem_shared>> -> memref<10240xf32, #tpu.memory_space<vmem_shared>>
      tpu.wait_indirect_dma semaphore(%arg8 : memref<!tpu.dma_semaphore, #tpu.memory_space<semaphore_mem>>) src(%arg6 : memref<96xf32, #tpu.memory_space<vmem>>) dst(%dma_wait3A_58 : memref<10240xf32, #tpu.memory_space<vmem_shared>>)
    }
    %scan3A_47 = arith.constant 105 : i32
    %barrier3A_48 = arith.constant 0 : index
    tpu.barrier barrier_id(%barrier3A_48)
    %mul3A_49 = arith.constant 640 : i32
    %mul3A_50 = arith.muli %arg1, %mul3A_49 : i32
    %mul3A_51 = arith.constant 640 : i32
    %mul3A_52 = arith.muli %arg1, %mul3A_51 : i32
    "tpu.region"() ({
      %run_scoped3A = tpu.sem_alloc : memref<!tpu.dma_semaphore, #tpu.memory_space<semaphore_mem>>
      %dma_start3A = tpu.memref_slice %arg4[%arg0, %mul3A_52] : memref<2x10240xf32, #tpu.memory_space<hbm>> -> memref<1x640xf32, #tpu.memory_space<hbm>>
      %dma_start3A_53 = tpu.memref_squeeze %dma_start3A : memref<1x640xf32, #tpu.memory_space<hbm>> -> memref<640xf32, #tpu.memory_space<hbm>>
      %dma_start3A_54 = tpu.memref_slice %arg7[%mul3A_50] : memref<10240xf32, #tpu.memory_space<vmem_shared>> -> memref<640xf32, #tpu.memory_space<vmem_shared>>
      tpu.enqueue_dma source(%dma_start3A_54 : memref<640xf32, #tpu.memory_space<vmem_shared>>) target(%dma_start3A_53 : memref<640xf32, #tpu.memory_space<hbm>>) target_semaphore(%run_scoped3A : memref<!tpu.dma_semaphore, #tpu.memory_space<semaphore_mem>>)
      %dma_wait3A = tpu.memref_slice %arg4[%arg0, %mul3A_52] : memref<2x10240xf32, #tpu.memory_space<hbm>> -> memref<1x640xf32, #tpu.memory_space<hbm>>
      %dma_wait3A_55 = tpu.memref_squeeze %dma_wait3A : memref<1x640xf32, #tpu.memory_space<hbm>> -> memref<640xf32, #tpu.memory_space<hbm>>
      %dma_wait3A_56 = tpu.memref_slice %arg7[%mul3A_50] : memref<10240xf32, #tpu.memory_space<vmem_shared>> -> memref<640xf32, #tpu.memory_space<vmem_shared>>
      tpu.wait_dma2 semaphore(%run_scoped3A : memref<!tpu.dma_semaphore, #tpu.memory_space<semaphore_mem>>) src(%dma_wait3A_56 : memref<640xf32, #tpu.memory_space<vmem_shared>>) dst(%dma_wait3A_55 : memref<640xf32, #tpu.memory_space<hbm>>)
      tpu.yield
    }) : () -> ()
    return
  }
}

module attributes {stable_mosaic.version = 14 : i64} {
  func.func @_prep_body(%arg0: i32, %arg1: memref<1024x1xf32, #tpu.memory_space<vmem>>, %arg2: memref<1024x1xf32, #tpu.memory_space<vmem>>, %arg3: memref<1024x128xf32, #tpu.memory_space<vmem>>, %arg4: memref<128x128xf32, #tpu.memory_space<vmem>>, %arg5: memref<1024x128xf32, #tpu.memory_space<vmem>>, %arg6: memref<1024x1xf32, #tpu.memory_space<vmem>>) attributes {dimension_semantics = [#tpu.dimension_semantics<arbitrary>], iteration_bounds = array<i64: 10>, scalar_prefetch = 0 : i64, scratch_operands = 0 : i64, tpu.core_type = #tpu.core_type<tc>, window_params = [{transform_indices = @transform_0, window_bounds = array<i64: 1024, 1>}, {transform_indices = @transform_1, window_bounds = array<i64: 1024, 1>}, {transform_indices = @transform_2, window_bounds = array<i64: 1024, 128>}, {pipeline_mode = #tpu.pipeline_mode<synchronous>, transform_indices = @transform_3, window_bounds = array<i64: 128, 128>}, {transform_indices = @transform_4, window_bounds = array<i64: 1024, 128>}, {transform_indices = @transform_5, window_bounds = array<i64: 1024, 1>}]} {
    %get3A = arith.constant 0 : index
    %get3A_0 = arith.constant 0 : index
    %get3A_1 = vector.load %arg1[%get3A, %get3A_0] : memref<1024x1xf32, #tpu.memory_space<vmem>>, vector<1024x1xf32>
    %get3A_2 = arith.constant 0 : index
    %get3A_3 = arith.constant 0 : index
    %get3A_4 = vector.load %arg2[%get3A_2, %get3A_3] : memref<1024x1xf32, #tpu.memory_space<vmem>>, vector<1024x1xf32>
    %add3A = arith.addf %get3A_1, %get3A_4 : vector<1024x1xf32>
    %gt3A = arith.constant 0.000000e+00 : f32
    %gt3A_5 = vector.broadcast %gt3A : f32 to vector<1024x1xf32>
    %gt3A_6 = arith.cmpf ogt, %add3A, %gt3A_5 : vector<1024x1xf32>
    %rsqrt3A = math.rsqrt %add3A : vector<1024x1xf32>
    %jit3A = arith.constant 0.000000e+00 : f32
    %broadcast_in_dim3A = vector.broadcast %jit3A : f32 to vector<1024x1xf32>
    %select_n3A = arith.select %gt3A_6, %rsqrt3A, %broadcast_in_dim3A : vector<1024x1xi1>, vector<1024x1xf32>
    %get3A_7 = arith.constant 0 : index
    %get3A_8 = arith.constant 0 : index
    %get3A_9 = vector.load %arg3[%get3A_7, %get3A_8] : memref<1024x128xf32, #tpu.memory_space<vmem>>, vector<1024x128xf32>
    %get3A_10 = arith.constant 0 : index
    %get3A_11 = arith.constant 0 : index
    %get3A_12 = vector.load %arg4[%get3A_10, %get3A_11] : memref<128x128xf32, #tpu.memory_space<vmem>>, vector<128x128xf32>
    %dot_general3A = arith.constant dense<0.000000e+00> : vector<1024x128xf32>
    %dot_general3A_13 = tpu.matmul %get3A_9, %get3A_12, %dot_general3A {dimension_numbers = #tpu.dot_dimension_numbers<[1], [0], [0], [1], [0, 0, 1, 1], [], []>, transpose_lhs_hint = false} : vector<1024x128xf32>, vector<128x128xf32>, vector<1024x128xf32> -> vector<1024x128xf32>
    %mul3A = vector.broadcast %select_n3A : vector<1024x1xf32> to vector<1024x128xf32>
    %mul3A_14 = arith.mulf %dot_general3A_13, %mul3A : vector<1024x128xf32>
    %swap3A = arith.constant 0 : index
    %swap3A_15 = arith.constant 0 : index
    %swap3A_16 = vector.load %arg5[%swap3A, %swap3A_15] : memref<1024x128xf32, #tpu.memory_space<vmem>>, vector<1024x128xf32>
    tpu.vector_store %arg5[%swap3A, %swap3A_15], %mul3A_14 {strides = array<i32>} : memref<1024x128xf32, #tpu.memory_space<vmem>>, vector<1024x128xf32>,
    %swap3A_17 = arith.constant 0 : index
    %swap3A_18 = arith.constant 0 : index
    %swap3A_19 = vector.load %arg6[%swap3A_17, %swap3A_18] : memref<1024x1xf32, #tpu.memory_space<vmem>>, vector<1024x1xf32>
    tpu.vector_store %arg6[%swap3A_17, %swap3A_18], %select_n3A {strides = array<i32>} : memref<1024x1xf32, #tpu.memory_space<vmem>>, vector<1024x1xf32>,
    return
  }
  func.func @transform_0(%arg0: i32) -> (i32, i32) {
    %c0_i32 = arith.constant 0 : i32
    %c0_i32_0 = arith.constant 0 : i32
    return %arg0, %c0_i32 : i32, i32
  }
  func.func @transform_1(%arg0: i32) -> (i32, i32) {
    %c0_i32 = arith.constant 0 : i32
    %c0_i32_0 = arith.constant 0 : i32
    return %arg0, %c0_i32 : i32, i32
  }
  func.func @transform_2(%arg0: i32) -> (i32, i32) {
    %c0_i32 = arith.constant 0 : i32
    %c0_i32_0 = arith.constant 0 : i32
    return %arg0, %c0_i32 : i32, i32
  }
  func.func @transform_3(%arg0: i32) -> (i32, i32) {
    %c0_i32 = arith.constant 0 : i32
    %c0_i32_0 = arith.constant 0 : i32
    %c0_i32_1 = arith.constant 0 : i32
    return %c0_i32, %c0_i32_0 : i32, i32
  }
  func.func @transform_4(%arg0: i32) -> (i32, i32) {
    %c0_i32 = arith.constant 0 : i32
    %c0_i32_0 = arith.constant 0 : i32
    return %arg0, %c0_i32 : i32, i32
  }
  func.func @transform_5(%arg0: i32) -> (i32, i32) {
    %c0_i32 = arith.constant 0 : i32
    %c0_i32_0 = arith.constant 0 : i32
    return %arg0, %c0_i32 : i32, i32
  }
}

module attributes {stable_mosaic.version = 14 : i64} {
  func.func @_final_body(%arg0: i32, %arg1: memref<1024x128xf32, #tpu.memory_space<vmem>>, %arg2: memref<1024x128xf32, #tpu.memory_space<vmem>>, %arg3: memref<1024x1xf32, #tpu.memory_space<vmem>>, %arg4: memref<1024x1xf32, #tpu.memory_space<vmem>>, %arg5: memref<1024x1xf32, #tpu.memory_space<vmem>>, %arg6: memref<1x128xf32, #tpu.memory_space<vmem>>, %arg7: memref<128x128xf32, #tpu.memory_space<vmem>>, %arg8: memref<1x128xf32, #tpu.memory_space<vmem>>, %arg9: memref<1x128xf32, #tpu.memory_space<vmem>>, %arg10: memref<1x128xf32, #tpu.memory_space<vmem>>) attributes {dimension_semantics = [#tpu.dimension_semantics<arbitrary>], iteration_bounds = array<i64: 10>, scalar_prefetch = 0 : i64, scratch_operands = 1 : i64, tpu.core_type = #tpu.core_type<tc>, window_params = [{transform_indices = @transform_0, window_bounds = array<i64: 1024, 128>}, {transform_indices = @transform_1, window_bounds = array<i64: 1024, 128>}, {transform_indices = @transform_2, window_bounds = array<i64: 1024, 1>}, {transform_indices = @transform_3, window_bounds = array<i64: 1024, 1>}, {transform_indices = @transform_4, window_bounds = array<i64: 1024, 1>}, {pipeline_mode = #tpu.pipeline_mode<synchronous>, transform_indices = @transform_5, window_bounds = array<i64: 1, 128>}, {pipeline_mode = #tpu.pipeline_mode<synchronous>, transform_indices = @transform_6, window_bounds = array<i64: 128, 128>}, {pipeline_mode = #tpu.pipeline_mode<synchronous>, transform_indices = @transform_7, window_bounds = array<i64: 1, 128>}, {pipeline_mode = #tpu.pipeline_mode<synchronous>, transform_indices = @transform_8, window_bounds = array<i64: 1, 128>}]} {
    %get3A = arith.constant 0 : index
    %get3A_0 = arith.constant 0 : index
    %get3A_1 = vector.load %arg5[%get3A, %get3A_0] : memref<1024x1xf32, #tpu.memory_space<vmem>>, vector<1024x1xf32>
    %get3A_2 = arith.constant 0 : index
    %get3A_3 = arith.constant 0 : index
    %get3A_4 = vector.load %arg1[%get3A_2, %get3A_3] : memref<1024x128xf32, #tpu.memory_space<vmem>>, vector<1024x128xf32>
    %get3A_5 = arith.constant 0 : index
    %get3A_6 = arith.constant 0 : index
    %get3A_7 = vector.load %arg2[%get3A_5, %get3A_6] : memref<1024x128xf32, #tpu.memory_space<vmem>>, vector<1024x128xf32>
    %add3A = arith.addf %get3A_4, %get3A_7 : vector<1024x128xf32>
    %mul3A = vector.broadcast %get3A_1 : vector<1024x1xf32> to vector<1024x128xf32>
    %mul3A_8 = arith.mulf %mul3A, %add3A : vector<1024x128xf32>
    %get3A_9 = arith.constant 0 : index
    %get3A_10 = arith.constant 0 : index
    %get3A_11 = vector.load %arg6[%get3A_9, %get3A_10] : memref<1x128xf32, #tpu.memory_space<vmem>>, vector<1x128xf32>
    %add3A_12 = vector.broadcast %get3A_11 : vector<1x128xf32> to vector<1024x128xf32>
    %add3A_13 = arith.addf %mul3A_8, %add3A_12 : vector<1024x128xf32>
    %max3A = arith.constant 0.000000e+00 : f32
    %max3A_14 = vector.broadcast %max3A : f32 to vector<1024x128xf32>
    %max3A_15 = arith.maximumf %add3A_13, %max3A_14 : vector<1024x128xf32>
    %get3A_16 = arith.constant 0 : index
    %get3A_17 = arith.constant 0 : index
    %get3A_18 = vector.load %arg3[%get3A_16, %get3A_17] : memref<1024x1xf32, #tpu.memory_space<vmem>>, vector<1024x1xf32>
    %get3A_19 = arith.constant 0 : index
    %get3A_20 = arith.constant 0 : index
    %get3A_21 = vector.load %arg4[%get3A_19, %get3A_20] : memref<1024x1xf32, #tpu.memory_space<vmem>>, vector<1024x1xf32>
    %add3A_22 = arith.addf %get3A_18, %get3A_21 : vector<1024x1xf32>
    %mul3A_23 = arith.mulf %get3A_1, %add3A_22 : vector<1024x1xf32>
    %mul3A_24 = arith.constant 1024 : i32
    %mul3A_25 = arith.muli %arg0, %mul3A_24 : i32
    %iota3A = tpu.iota {dimensions = array<i32: 0>} : vector<1024x1xi32>
    %add3A_26 = vector.broadcast %mul3A_25 : i32 to vector<1024x1xi32>
    %add3A_27 = arith.addi %add3A_26, %iota3A : vector<1024x1xi32>
    %lt3A = arith.constant 10000 : i32
    %lt3A_28 = vector.broadcast %lt3A : i32 to vector<1024x1xi32>
    %lt3A_29 = arith.cmpi slt, %add3A_27, %lt3A_28 : vector<1024x1xi32>
    %jit3A = arith.constant 0.000000e+00 : f32
    %broadcast_in_dim3A = vector.broadcast %jit3A : f32 to vector<1024x1xf32>
    %select_n3A = arith.select %lt3A_29, %mul3A_23, %broadcast_in_dim3A : vector<1024x1xi1>, vector<1024x1xf32>
    %mul3A_30 = vector.broadcast %select_n3A : vector<1024x1xf32> to vector<1024x128xf32>
    %mul3A_31 = arith.mulf %mul3A_30, %max3A_15 : vector<1024x128xf32>
    %reduce_sum3A = arith.constant dense<0.000000e+00> : vector<128xf32>
    %reduce_sum3A_32 = vector.multi_reduction <add>, %mul3A_31, %reduce_sum3A [0] : vector<1024x128xf32> to vector<128xf32>
    %broadcast_in_dim3A_33 = vector.shape_cast %reduce_sum3A_32 : vector<128xf32> to vector<1x128xf32>
    %eq3A = arith.constant 0 : i32
    %eq3A_34 = arith.cmpi eq, %arg0, %eq3A : i32
    %convert_element_type3A = arith.extui %eq3A_34 : i1 to i32
    %cond3A = arith.constant 0 : i32
    %cond3A_35 = arith.cmpi ne, %convert_element_type3A, %cond3A : i32
    scf.if %cond3A_35 {
      %broadcast_in_dim3A_47 = arith.constant 0.000000e+00 : f32
      %broadcast_in_dim3A_48 = vector.broadcast %broadcast_in_dim3A_47 : f32 to vector<1x128xf32>
      %swap3A_49 = arith.constant 0 : index
      %swap3A_50 = arith.constant 0 : index
      %swap3A_51 = vector.load %arg10[%swap3A_49, %swap3A_50] : memref<1x128xf32, #tpu.memory_space<vmem>>, vector<1x128xf32>
      tpu.vector_store %arg10[%swap3A_49, %swap3A_50], %broadcast_in_dim3A_48 {strides = array<i32>} : memref<1x128xf32, #tpu.memory_space<vmem>>, vector<1x128xf32>,
    } else {
    }
    %get3A_36 = arith.constant 0 : index
    %get3A_37 = arith.constant 0 : index
    %get3A_38 = vector.load %arg10[%get3A_36, %get3A_37] : memref<1x128xf32, #tpu.memory_space<vmem>>, vector<1x128xf32>
    %add3A_39 = arith.addf %get3A_38, %broadcast_in_dim3A_33 : vector<1x128xf32>
    %swap3A = arith.constant 0 : index
    %swap3A_40 = arith.constant 0 : index
    %swap3A_41 = vector.load %arg10[%swap3A, %swap3A_40] : memref<1x128xf32, #tpu.memory_space<vmem>>, vector<1x128xf32>
    tpu.vector_store %arg10[%swap3A, %swap3A_40], %add3A_39 {strides = array<i32>} : memref<1x128xf32, #tpu.memory_space<vmem>>, vector<1x128xf32>,
    %eq3A_42 = arith.constant 9 : i32
    %eq3A_43 = arith.cmpi eq, %arg0, %eq3A_42 : i32
    %convert_element_type3A_44 = arith.extui %eq3A_43 : i1 to i32
    %cond3A_45 = arith.constant 0 : i32
    %cond3A_46 = arith.cmpi ne, %convert_element_type3A_44, %cond3A_45 : i32
    scf.if %cond3A_46 {
      %get3A_47 = arith.constant 0 : index
      %get3A_48 = arith.constant 0 : index
      %get3A_49 = vector.load %arg10[%get3A_47, %get3A_48] : memref<1x128xf32, #tpu.memory_space<vmem>>, vector<1x128xf32>
      %mul3A_50 = arith.constant 9.99999974E-5 : f32
      %mul3A_51 = vector.broadcast %mul3A_50 : f32 to vector<1x128xf32>
      %mul3A_52 = arith.mulf %get3A_49, %mul3A_51 : vector<1x128xf32>
      %get3A_53 = arith.constant 0 : index
      %get3A_54 = arith.constant 0 : index
      %get3A_55 = vector.load %arg7[%get3A_53, %get3A_54] : memref<128x128xf32, #tpu.memory_space<vmem>>, vector<128x128xf32>
      %dot_general3A = arith.constant dense<0.000000e+00> : vector<1x128xf32>
      %dot_general3A_56 = tpu.matmul %mul3A_52, %get3A_55, %dot_general3A {dimension_numbers = #tpu.dot_dimension_numbers<[1], [0], [0], [1], [0, 0, 1, 1], [], []>, transpose_lhs_hint = false} : vector<1x128xf32>, vector<128x128xf32>, vector<1x128xf32> -> vector<1x128xf32>
      %get3A_57 = arith.constant 0 : index
      %get3A_58 = arith.constant 0 : index
      %get3A_59 = vector.load %arg8[%get3A_57, %get3A_58] : memref<1x128xf32, #tpu.memory_space<vmem>>, vector<1x128xf32>
      %add3A_60 = arith.addf %dot_general3A_56, %get3A_59 : vector<1x128xf32>
      %swap3A_61 = arith.constant 0 : index
      %swap3A_62 = arith.constant 0 : index
      %swap3A_63 = vector.load %arg9[%swap3A_61, %swap3A_62] : memref<1x128xf32, #tpu.memory_space<vmem>>, vector<1x128xf32>
      tpu.vector_store %arg9[%swap3A_61, %swap3A_62], %add3A_60 {strides = array<i32>} : memref<1x128xf32, #tpu.memory_space<vmem>>, vector<1x128xf32>,
    } else {
    }
    return
  }
  func.func @transform_0(%arg0: i32) -> (i32, i32) {
    %c0_i32 = arith.constant 0 : i32
    %c0_i32_0 = arith.constant 0 : i32
    return %arg0, %c0_i32 : i32, i32
  }
  func.func @transform_1(%arg0: i32) -> (i32, i32) {
    %c0_i32 = arith.constant 0 : i32
    %c0_i32_0 = arith.constant 0 : i32
    return %arg0, %c0_i32 : i32, i32
  }
  func.func @transform_2(%arg0: i32) -> (i32, i32) {
    %c0_i32 = arith.constant 0 : i32
    %c0_i32_0 = arith.constant 0 : i32
    return %arg0, %c0_i32 : i32, i32
  }
  func.func @transform_3(%arg0: i32) -> (i32, i32) {
    %c0_i32 = arith.constant 0 : i32
    %c0_i32_0 = arith.constant 0 : i32
    return %arg0, %c0_i32 : i32, i32
  }
  func.func @transform_4(%arg0: i32) -> (i32, i32) {
    %c0_i32 = arith.constant 0 : i32
    %c0_i32_0 = arith.constant 0 : i32
    return %arg0, %c0_i32 : i32, i32
  }
  func.func @transform_5(%arg0: i32) -> (i32, i32) {
    %c0_i32 = arith.constant 0 : i32
    %c0_i32_0 = arith.constant 0 : i32
    %c0_i32_1 = arith.constant 0 : i32
    return %c0_i32, %c0_i32_0 : i32, i32
  }
  func.func @transform_6(%arg0: i32) -> (i32, i32) {
    %c0_i32 = arith.constant 0 : i32
    %c0_i32_0 = arith.constant 0 : i32
    %c0_i32_1 = arith.constant 0 : i32
    return %c0_i32, %c0_i32_0 : i32, i32
  }
  func.func @transform_7(%arg0: i32) -> (i32, i32) {
    %c0_i32 = arith.constant 0 : i32
    %c0_i32_0 = arith.constant 0 : i32
    %c0_i32_1 = arith.constant 0 : i32
    return %c0_i32, %c0_i32_0 : i32, i32
  }
  func.func @transform_8(%arg0: i32) -> (i32, i32) {
    %c0_i32 = arith.constant 0 : i32
    %c0_i32_0 = arith.constant 0 : i32
    %c0_i32_1 = arith.constant 0 : i32
    return %c0_i32, %c0_i32_0 : i32, i32
  }
}

</mosaic_0001>

<sc_bundles>
// kernel: kernel.6.cloned.1.call-start
scs
__scs_entry_jumppad:
0x0: {  	(pc) =	sbr.rel $0x88, $3  }
0x1: {  	(tag) =	ssettag $0x0;
	lr =	simm.s32 $0x1  }
0x2: {  	[smem:$0x3F9B] =	sst lr;
	_ =	strace $0xD0000000  }
0x3: {  	_ = 	snop  }
0x4: {  	_ = 	snop  }
0x5: {  	_ = 	snop  }
0x6: {  	_ = 	snop  }
0x7: {  	_ = 	snop  }
__scs_overlays_trampoline_lowered:
0x8: {  	[smem:$0x3FAA] =	sst s0  }
0x9: {  	[smem:$0x3FAB] =	sst s1  }
0xa: {  	[smem:$0x3FAC] =	sst s2  }
0xb: {  	[smem:$0x3FAD] =	sst s3  }
0xc: {  	[smem:$0x3FAE] =	sst s4  }
0xd: {  	[smem:$0x3FAF] =	sst s5  }
0xe: {  	[smem:$0x3FB0] =	sst s6  }
0xf: {  	[smem:$0x3FB1] =	sst s7  }
0x10: {  	[smem:$0x3FB2] =	sst s8  }
0x11: {  	[smem:$0x3FB3] =	sst s9;
	s0 =	simm.s32 @!p0 $0x0  }
0x12: {  	s1 =	sld [smem:$0x3F99];
	s0 =	simm.s32 @p0 $0x1  }
0x13: {  	[smem:$0x3FB4] =	sst s0;
	s0 =	simm.s32 @!p1 $0x0  }
0x14: {  	s2 =	sld [smem:$0x3F98];
	s0 =	simm.s32 @p1 $0x1  }
0x15: {  	[smem:$0x3FB5] =	sst s0;
	s0 =	simm.s32 @!p2 $0x0  }
0x16: {  	s3 =	sld [smem:$0x3FDB];
	s0 =	simm.s32 @p2 $0x1  }
0x17: {  	s4 =	simm.s32 $0x1BF5;
	[smem:$0x3FB7] =	sst s0  }
0x18: {  	s0 =	sld [smem:$0x3F9A];
	_ =	swait.ge [sflag:s4], $0x0  }
0x19: {  	s7 =	sld [smem:$0x3F9B]  }
0x1a: {  	s8 =	sadd.s32 $0xFFFFE003, lr  }
0x1b: {  	s9 =	sadd.s32 $0xFFFFFEF7, lr;
	s5 =	simm.s32 $0xFFFFFFFF;
	p2 =	slt.u32 s8, $0xFFFFF086  }
0x1c: {  	p1 =	slt.u32 s9, $0xF7A;
	s5 =	simm.s32 @!p2 $0x0  }
0x1d: {  	s5 =	simm.s32 @p1 $0x1;
	p0 =	seq.s32 s7, s2  }
0x1e: {  	s7 =	smul.u32 @!p0 $0xF7A, s2;
	p2 =	seq.s32 @!p0 s5, $0x0  }
0x1f: {  	s9 =	smul.u32 $0xF7A, s1;
	s8 =	simm.s32 @!p0 $0x1BF5;
	p2 =	por !p2, p0  }
0x20: {  	[sflag:s8] =	ssyncset.s32 @!p0 $0xFFFFF086;
	s6 =	sadd.s32 @!p0 s3, s7;
	s7 =	simm.s32 @!p0 $0x108  }
0x21: {  	s3 =	sadd.s32 s3, s9;
	s6 =	sadd.s32 @!p0 $0x88, s6;
	s7 =	simm.s32 @p2 $0x1082  }
0x22: {  	[simem:s7], [sflag:s8] =	dma.local @!p0 [hbm:s6], $0xF7A  }
0x23: {  	s9 =	sor.u32 $0xD0000000, s2;
	s6 =	simm.s32 $0x108;
	_ =	swait.ge @!p0 [sflag:s8], $0x0  }
0x24: {  	s3 =	sadd.s32 $0x88, s3;
	s6 =	simm.s32 @!p1 $0x1082;
	[sflag:s4] =	ssyncset.s32 $0xFFFFF086  }
0x25: {  	[simem:s6], [sflag:s4] =	dma.local [hbm:s3], $0xF7A  }
0x26: {  	[smem:$0x3F9B] =	sst s1;
	(tag) =	ssettag s2;
	_ =	strace s9  }
0x27: {  	s1 =	sld [smem:$0x3FAB]  }
0x28: {  	s2 =	sld [smem:$0x3FAC]  }
0x29: {  	s4 =	sld [smem:$0x3FAE]  }
0x2a: {  	p0 =	seq.s32 s5, $0x0;
	s5 =	sld [smem:$0x3FAF]  }
0x2b: {  	s6 =	sld [smem:$0x3FB0]  }
0x2c: {  	s7 =	sld [smem:$0x3FB1]  }
0x2d: {  	s3 =	simm.s32 $0x108;
	s8 =	sld [smem:$0x3FB2]  }
0x2e: {  	s3 =	simm.s32 @!p0 $0x1082;
	s9 =	sld [smem:$0x3FB3]  }
0x2f: {  	lr =	sadd.s32 s0, s3;
	s0 =	sld [smem:$0x3FAA]  }
0x30: {  	s3 =	sld [smem:$0x3FAD]  }
0x31: {  	[smem:$0x3FB6] =	sst s10  }
0x32: {  	s10 =	sld [smem:$0x3FB4];
	_ =	sdelay $0x3  }
0x33: {  	p0 =	seq.s32 s10, $0x1;
	s10 =	sld [smem:$0x3FB6];
	_ =	sdelay $0x3  }
0x34: {  	[smem:$0x3FB6] =	sst s10  }
0x35: {  	s10 =	sld [smem:$0x3FB5];
	_ =	sdelay $0x3  }
0x36: {  	p1 =	seq.s32 s10, $0x1;
	s10 =	sld [smem:$0x3FB6];
	_ =	sdelay $0x3  }
0x37: {  	[smem:$0x3FB6] =	sst s10  }
0x38: {  	s10 =	sld [smem:$0x3FB7]  }
0x39: {  	_ = 	snop;
	(pc) =	sbr.ind lr, $3  }
0x3a: {  	_ = 	snop  }
0x3b: {  	_ = 	snop  }
0x3c: {  	p2 =	seq.s32 s10, $0x1;
	s10 =	sld [smem:$0x3FB6]  }
0x3d: {  	_ =	shalt  }
0x3e: {  	_ =	shalt  }
0x3f: {  	_ =	shalt  }
0x40: {  	_ =	shalt  }
0x41: {  	_ =	shalt  }
0x42: {  	_ =	shalt  }
0x43: {  	_ =	shalt  }
0x44: {  	_ =	shalt  }
0x45: {  	_ =	shalt  }
0x46: {  	_ =	shalt  }
0x47: {  	_ =	shalt  }
0x48: {  	_ =	shalt  }
0x49: {  	_ =	shalt  }
0x4a: {  	_ =	shalt  }
0x4b: {  	_ =	shalt  }
0x4c: {  	_ =	shalt  }
0x4d: {  	_ =	shalt  }
0x4e: {  	_ =	shalt  }
0x4f: {  	_ =	shalt  }
0x50: {  	_ =	shalt  }
0x51: {  	_ =	shalt  }
0x52: {  	_ =	shalt  }
0x53: {  	_ =	shalt  }
0x54: {  	_ =	shalt  }
0x55: {  	_ =	shalt  }
0x56: {  	_ =	shalt  }
0x57: {  	_ =	shalt  }
0x58: {  	_ =	shalt  }
0x59: {  	_ =	shalt  }
0x5a: {  	_ =	shalt  }
0x5b: {  	_ =	shalt  }
0x5c: {  	_ =	shalt  }
0x5d: {  	_ =	shalt  }
0x5e: {  	_ =	shalt  }
0x5f: {  	_ =	shalt  }
0x60: {  	_ =	shalt  }
0x61: {  	_ =	shalt  }
0x62: {  	_ =	shalt  }
0x63: {  	_ =	shalt  }
0x64: {  	_ =	shalt  }
0x65: {  	_ =	shalt  }
0x66: {  	_ =	shalt  }
0x67: {  	_ =	shalt  }
0x68: {  	_ =	shalt  }
0x69: {  	_ =	shalt  }
0x6a: {  	_ =	shalt  }
0x6b: {  	_ =	shalt  }
0x6c: {  	_ =	shalt  }
0x6d: {  	_ =	shalt  }
0x6e: {  	_ =	shalt  }
0x6f: {  	_ =	shalt  }
0x70: {  	_ =	shalt  }
0x71: {  	_ =	shalt  }
0x72: {  	_ =	shalt  }
0x73: {  	_ =	shalt  }
0x74: {  	_ =	shalt  }
0x75: {  	_ =	shalt  }
0x76: {  	_ =	shalt  }
0x77: {  	_ =	shalt  }
0x78: {  	_ =	shalt  }
0x79: {  	_ =	shalt  }
0x7a: {  	_ =	shalt  }
0x7b: {  	_ =	shalt  }
0x7c: {  	_ =	shalt  }
0x7d: {  	_ =	shalt  }
0x7e: {  	_ =	shalt  }
0x7f: {  	_ =	shalt  }
0x80: {  	_ =	shalt  }
0x81: {  	_ =	shalt  }
0x82: {  	_ =	shalt  }
0x83: {  	_ =	shalt  }
0x84: {  	_ =	shalt  }
0x85: {  	_ =	shalt  }
0x86: {  	_ =	shalt  }
0x87: {  	_ =	shalt  }
.Lfunc_end0:
.L_simem_size_0:
called_computation_lowered:
.L_overlay_start_0:
0x88: {  	s2 =	sld [smem:$0x3FD9]  }
0x89: {  	s3 =	sld [smem:$0x3FFE];
	_ =	sdelay $0x1  }
0x8a: {  	s1 =	srdreg.scid  }
0x8b: {  	s0 =	sand.u32 $0x1, s1  }
0x8c: {  	s16 =	sshll.u32 s0, $0xA;
	s2 =	sadd.s32 s3, s2  }
0x8d: {  	s2 =	sadd.s32 s2, s16  }
0x8e: {  	[smem:$0x3FC2] =	sst s2  }
0x8f: {  	_ = 	snop  }
0x90: {  	(tm) =	ssettm $0x1  }
0x91: {  	s17 =	sld [smem:$0x3FFB];
	_ =	sdelay $0x3  }
0x92: {  	_ =	strace s17  }
0x93: {  	s2 =	sld [smem:$0x3FFC];
	_ =	sdelay $0x3  }
0x94: {  	_ =	strace s2  }
0x95: {  	s2 =	sld [smem:$0x3FFD];
	_ =	sdelay $0x3  }
0x96: {  	_ =	strace s2  }
0x97: {  	_ =	strace $0x8FFFFFFF  }
0x98: {  	s18 =	sld [smem:$0x3FDB];
	_ =	sdelay $0x1  }
0x99: {  	s19 =	simm.s32 $_scs_section_size  }
0x9a: {  	s4 =	simm.s32 $_size__tile_overlayer_lowered;
	s5 =	simm.s32 $_tile_overlayer_lowered  }
0x9b: {  	s22 =	simm.s32 $0x1BFF;
	s21 =	sshll.u32 s5, $0x1;
	s2 =	sadd.s32 s19, s18  }
0x9c: {  	s6 =	simm.s32 $0x0;
	s20 =	sshll.u32 s4, $0x1;
	s4 =	sadd.s32 s21, s2  }
0x9d: {  	[timem:s6], [sflag:s22] =	dma.local [hbm:s4], s20  }
0x9e: {  	_ =	swait.ge [sflag:s22], s20  }
0x9f: {  	s3 =	ssub.s32 $0x0, s20;
	[sflag:s22] =	ssyncset.done $0x0  }
0xa0: {  	[sflag:s22] =	ssyncadd.s32 s3;
	_ =	sdelay $0x1  }
0xa1: {  	s23 =	simm.s32 $0x1B8B  }
0xa2: {  	_ =	swait.ge [sflag:s23], $0x1  }
0xa3: {  	[sflag:s23] =	ssyncset.done $0x0  }
0xa4: {  	s25 =	simm.s32 $0x1B8E;
	s24 =	sld [smem:$0x3FFE];
	[sflag:s23] =	ssyncadd.s32 $0xFFFFFFFF  }
0xa5: {  	s26 =	simm.s32 $execute0_lowered;
	[smem:$0x3FD2] =	sst s25  }
0xa6: {  	s4 =	sshll.u32 s26, $0x1;
	_ =	strace $0x80000046;
	[dreg:$0x1] =	wrdreg $0xFFFFFFFF  }
0xa7: {  	s28 =	simm.s32 $_size_execute0_lowered;
	s2 =	sadd.s32 s2, s4;
	[dreg:$0x0] =	wrdreg $0x0  }
0xa8: {  	s4 =	sshll.u32 s28, $0x1;
	[dreg:$0x2] =	wrdreg s2  }
0xa9: {  	[dreg:$0x3] =	wrdreg s4  }
0xaa: {  	[dreg:$0x4] =	wrdreg $0xC0  }
0xab: {  	_ =	task [dreg:s6], $0x5FFFF  }
0xac: {  	[dreg:$0x1] =	wrdreg $0xFFFFFFFF  }
0xad: {  	[dreg:$0x0] =	wrdreg $0x60  }
0xae: {  	[dreg:$0x2] =	wrdreg s24  }
0xaf: {  	[dreg:$0x3] =	wrdreg $0x38800  }
0xb0: {  	[dreg:$0x4] =	wrdreg $0x9  }
0xb1: {  	_ =	task.clear_ibuf [dreg:s6], $0x5FFFF;
	_ =	strace $0x90000046  }
0xb2: {  	s29 =	simm.s32 $0x9;
	_ =	strace $0x80000048  }
0xb3: {  	_ =	swait.ge [sflag:s29], $0x1  }
0xb4: {  	[sflag:s29] =	ssyncadd.s32 $0xFFFFFFFF  }
0xb5: {  	_ =	strace $0x90000048  }
0xb6: {  	_ =	sfence  }
0xb7: {  	s30 =	sld [smem:$0x0];
	_ =	sdelay $0x2  }
0xb8: {  	s31 =	sshll.u32 s1, $0xD;
	s1 =	sshrl.u32 s1, $0x2  }
0xb9: {  	s3 =	sand.u32 $0x4000, s31;
	s1 =	sadd.s32 s1, s30  }
0xba: {  	s0 =	sor.u32 s3, s0;
	s1 =	sshll.u32 s1, $0x11  }
0xbb: {  	s0 =	sor.u32 s1, s0  }
0xbc: {  	s0 =	sadd.s32 $0x8F2B, s0  }
0xbd: {  	[sflag:s0] =	ssyncadd.remote.s32 $0x1  }
0xbe: {  	_ =	sfence.sel $0xFFFF  }
0xbf: {  	[dreg:$0x0] =	wrdreg $0xFFFFFFFF;
	(pc) =	sbr.abs _section_cstart, $3  }
0xc0: {  	[dreg:$0x1] =	wrdreg $0xFFFFFFFF  }
0xc1: {  	_ =	task.clear_ibuf [dreg:s6], $0x2FFFF;
	_ =	strace $0x9FFFFFFF  }
0xc2: {  	(tm) =	ssettm $0x7FFFFFFF  }
0xc3: {  	_ =	shalt  }
tec
execute0_lowered:
.L_overlay_start_1:
0x0: {  	(tag) =	ssettag $0x1  }
0x1: {  	s0 =	srdreg.scid;
	s6 =	rddreg [dreg:$0x0]  }
0x2: {  	s2 =	rddreg [dreg:$0x1];
	s3 =	simm.s32 $0x0;
	s12 =	simm.s32 $0x3800  }
0x3: {  	s13 =	simm.s32 $0x1;
	s14 =	simm.s32 $0x20;
	s15 =	simm.s32 $0x10  }
0x4: {  	s16 =	simm.s32 $0x0;
	s5 =	sand.u32 $0x1, s0;
	s0 =	stileid.u32  }
0x5: {  	[smem:$0x7FF] =	sst s3;
	s1 =	sshll.u32 s5, $0x4;
	s7 =	smul.u32 $0x500, s0  }
0x6: {  	s8 =	sshll.u32 s5, $0x7;
	s29 =	smul.u32 $0xA00, s0;
	s5 =	ssub.s32 $0x2, s5  }
0x7: {  	s31 =	sshll.u32 s0, $0x6;
	s4 =	sor.u32 s0, s1;
	s1 =	rddreg [dreg:$0x2]  }
0x8: {  	_ =	strace $0x80000047;
	s30 =	sshrl.u32 s5, $0x1;
	s4 =	smul.u32 $0x700, s4  }
0x9: {  	s7 =	sor.u32 s8, s7;
	s8 =	sshrl.u32 s29, $0x2;
	s10 =	ssub.s32 s5, s30  }
0xa: {  	s5 =	sor.u32 $0x1C02, s31;
	s7 =	sshrl.u32 s7, $0x3;
	s11 =	sadd.s32 s8, s2  }
0xb: {  	s8 =	smax.u32 s10, $0x1;
	s10 =	simm.s32 $0x2;
	s9 =	sadd.s32 s4, s6  }
0xc: {  	s4 =	sadd.s32 $0xFE00, s6;
	s7 =	sadd.s32 s7, s6;
	s6 =	sadd.s32 $0x1E00, s9  }
0xd: {  	v0 =	vimm.f32 $1.000000000e+00;
	s7 =	sadd.s32 $0x10000, s7;
	s9 =	sshrl.u32 s11, $0x3;
	s11 =	simm.s32 $0x60  }
.LBB2_1:
0xe: {  	[spmem:s9], [sflag:s5] =	dma.local [hbm:s4], $0x50  }
0xf: {  	_ =	swait.ge [sflag:s10], $0x50  }
0x10: {  	[sflag:s10] =	ssyncset.done $0x0  }
0x11: {  	[sflag:s10] =	ssyncadd.s32 $0xFFFFFFB0  }
0x12: {  	[tilespmem:s3], [sflag:$0x2] =	stream.linear.gather [hbm4b:s6+s3], $0x3680, $0x38;
	[tilespmem:$0x3B00] =	vst v63  }
0x13: {  	_ =	swait.ge [sflag:s10], $0x3680  }
0x14: {  	[sflag:s10] =	ssyncset.done $0x0  }
0x15: {  	[sflag:s10] =	ssyncadd.s32 $0xFFFFC980  }
0x16: {  	[tilespmem:$0x3800] =	vst v0  }
0x17: {  	[tilespmem:$0x3810] =	vst v0  }
0x18: {  	[tilespmem:$0x3820] =	vst v0  }
0x19: {  	[tilespmem:$0x3830] =	vst v0  }
0x1a: {  	[tilespmem:$0x3840] =	vst v0  }
0x1b: {  	[tilespmem:$0x3850] =	vst v0  }
0x1c: {  	s17 =	simm.s32 $0x0;
	[bflag:$0x0] =	sbarrier.arrive $0xFFFF  }
.LBB2_2:
0x1d: {  	p0 =	sne.s32 s17, $0xD000  }
.Ltmp0:
0x1e: {  	_ = 	snop;
	(pc) =	sbr.rel @p0 .LBB2_2-.Ltmp0, $3  }
0x1f: {  	_ =	sdelay $0x1  }
0x20: {  	s18 =	sshra.s32 s17, $0x2;
	s17 =	sadd.s32 $0x200, s17  }
0x21: {  	[spmem:s2] =	stream.indirect.scatter.add.f32 [tilespmem:s12], [sflag:$0x1], $0x1, s18, s11, $0xb8;
	[tilespmem:$0x3B00] =	vst v63  }
0x22: {  	_ =	swait.ge [sflag:s13], $0x60  }
0x23: {  	s17 =	simm.s32 $0x68;
	[sflag:s13] =	ssyncset.done $0x0  }
.LBB2_4:
0x24: {  	p0 =	sne.s32 s17, $0x1;
	s17 =	sadd.s32 $0xFFFFFFFF, s17;
	[sflag:s13] =	ssyncadd.s32 $0xFFFFFFA0  }
.Ltmp1:
0x25: {  	(pc) =	sbr.rel @p0 .LBB2_4-.Ltmp1, $3  }
0x26: {  	_ =	sdelay $0x1  }
0x27: {  	_ =	swait.ge [sflag:s13], $0x60  }
0x28: {  	[sflag:s13] =	ssyncset.done $0x0  }
0x29: {  	s16 =	sadd.s32 $0x1, s16  }
0x2a: {  	[sflag:s13] =	ssyncadd.s32 $0xFFFFFFA0;
	p0 =	sne.s32 s16, s8  }
.Ltmp2:
0x2b: {  	[bflag:$0x0] =	sbarrier.arrive $0xFFFF;
	(pc) =	sbr.rel @p0 .LBB2_1-.Ltmp2, $4  }
0x2c: {  	[hbm:s7@s14], [sflag:s5] =	dma.strided [spmem:s9@s15], $0x50, s13, $0x10   }
0x2d: {  	_ =	swait.ge [sflag:s10], $0x50  }
0x2e: {  	[sflag:s10] =	ssyncset.done $0x0  }
0x2f: {  	[sflag:s10] =	ssyncadd.s32 $0xFFFFFFB0  }
0x30: {  	_ =	sfence.sel $0x180000  }
0x31: {  	[bflag:$0x0] =	sbarrier.arrive $0xFFFF  }
0x32: {  	p0 =	sne.s32 s0, $0x0;
	_ =	strace $0x90000047  }
0x33: {  	s0 =	sadd.s32 @!p0 $0x100000, s1;
	[bflag:$0x2] =	sbarrier.arrive $0xFFFF  }
0x34: {  	[sflag:s0] =	ssyncadd.tile.s32 @!p0 $0x1;
	_ =	shalt  }
.Lfunc_end2:
_tile_overlayer_lowered:
.L_overlay_start_2:
0x35: {  	(tag) =	ssettag $0x2  }
0x36: {  	s0 =	rddreg [dreg:$0x0];
	s2 =	stileid.u32  }
0x37: {  	s1 =	rddreg [dreg:$0x1];
	p0 =	sne.s32 s2, $0x0  }
0x38: {  	s3 =	rddreg [dreg:$0x2];
	[bflag:$0x3] =	sbarrier.arrive $0xFFFF;
	s2 =	simm.s32 @!p0 $0x1C02  }
0x39: {  	[timem:s3], [sflag:s2] =	dma.local @!p0 [hbm:s0], s1  }
0x3a: {  	s0 =	simm.s32 @!p0 $0x2  }
0x3b: {  	_ =	swait.ge @!p0 [sflag:s0], s1  }
0x3c: {  	s1 =	ssub.s32 @!p0 $0x0, s1;
	[sflag:s0] =	ssyncset.done @!p0 $0x0  }
0x3d: {  	[sflag:s0] =	ssyncadd.s32 @!p0 s1  }
0x3e: {  	[bflag:$0x3] =	sbarrier.arrive $0xFFFF  }
0x3f: {  	_ =	shalt  }

// kernel: kernel.9.cloned.1.call-start
scs
__scs_entry_jumppad:
0x0: {  	(pc) =	sbr.rel $0x88, $3  }
0x1: {  	(tag) =	ssettag $0x0;
	lr =	simm.s32 $0x1  }
0x2: {  	[smem:$0x3F9B] =	sst lr;
	_ =	strace $0xD0000000  }
0x3: {  	_ = 	snop  }
0x4: {  	_ = 	snop  }
0x5: {  	_ = 	snop  }
0x6: {  	_ = 	snop  }
0x7: {  	_ = 	snop  }
__scs_overlays_trampoline_lowered:
0x8: {  	[smem:$0x3FAA] =	sst s0  }
0x9: {  	[smem:$0x3FAB] =	sst s1  }
0xa: {  	[smem:$0x3FAC] =	sst s2  }
0xb: {  	[smem:$0x3FAD] =	sst s3  }
0xc: {  	[smem:$0x3FAE] =	sst s4  }
0xd: {  	[smem:$0x3FAF] =	sst s5  }
0xe: {  	[smem:$0x3FB0] =	sst s6  }
0xf: {  	[smem:$0x3FB1] =	sst s7  }
0x10: {  	[smem:$0x3FB2] =	sst s8  }
0x11: {  	[smem:$0x3FB3] =	sst s9;
	s0 =	simm.s32 @!p0 $0x0  }
0x12: {  	s1 =	sld [smem:$0x3F99];
	s0 =	simm.s32 @p0 $0x1  }
0x13: {  	[smem:$0x3FB4] =	sst s0;
	s0 =	simm.s32 @!p1 $0x0  }
0x14: {  	s2 =	sld [smem:$0x3F98];
	s0 =	simm.s32 @p1 $0x1  }
0x15: {  	[smem:$0x3FB5] =	sst s0;
	s0 =	simm.s32 @!p2 $0x0  }
0x16: {  	s3 =	sld [smem:$0x3FDB];
	s0 =	simm.s32 @p2 $0x1  }
0x17: {  	s4 =	simm.s32 $0x1BF5;
	[smem:$0x3FB7] =	sst s0  }
0x18: {  	s0 =	sld [smem:$0x3F9A];
	_ =	swait.ge [sflag:s4], $0x0  }
0x19: {  	s7 =	sld [smem:$0x3F9B]  }
0x1a: {  	s8 =	sadd.s32 $0xFFFFE003, lr  }
0x1b: {  	s9 =	sadd.s32 $0xFFFFFEF7, lr;
	s5 =	simm.s32 $0xFFFFFFFF;
	p2 =	slt.u32 s8, $0xFFFFF086  }
0x1c: {  	p1 =	slt.u32 s9, $0xF7A;
	s5 =	simm.s32 @!p2 $0x0  }
0x1d: {  	s5 =	simm.s32 @p1 $0x1;
	p0 =	seq.s32 s7, s2  }
0x1e: {  	s7 =	smul.u32 @!p0 $0xF7A, s2;
	p2 =	seq.s32 @!p0 s5, $0x0  }
0x1f: {  	s9 =	smul.u32 $0xF7A, s1;
	s8 =	simm.s32 @!p0 $0x1BF5;
	p2 =	por !p2, p0  }
0x20: {  	[sflag:s8] =	ssyncset.s32 @!p0 $0xFFFFF086;
	s6 =	sadd.s32 @!p0 s3, s7;
	s7 =	simm.s32 @!p0 $0x108  }
0x21: {  	s3 =	sadd.s32 s3, s9;
	s6 =	sadd.s32 @!p0 $0x88, s6;
	s7 =	simm.s32 @p2 $0x1082  }
0x22: {  	[simem:s7], [sflag:s8] =	dma.local @!p0 [hbm:s6], $0xF7A  }
0x23: {  	s9 =	sor.u32 $0xD0000000, s2;
	s6 =	simm.s32 $0x108;
	_ =	swait.ge @!p0 [sflag:s8], $0x0  }
0x24: {  	s3 =	sadd.s32 $0x88, s3;
	s6 =	simm.s32 @!p1 $0x1082;
	[sflag:s4] =	ssyncset.s32 $0xFFFFF086  }
0x25: {  	[simem:s6], [sflag:s4] =	dma.local [hbm:s3], $0xF7A  }
0x26: {  	[smem:$0x3F9B] =	sst s1;
	(tag) =	ssettag s2;
	_ =	strace s9  }
0x27: {  	s1 =	sld [smem:$0x3FAB]  }
0x28: {  	s2 =	sld [smem:$0x3FAC]  }
0x29: {  	s4 =	sld [smem:$0x3FAE]  }
0x2a: {  	p0 =	seq.s32 s5, $0x0;
	s5 =	sld [smem:$0x3FAF]  }
0x2b: {  	s6 =	sld [smem:$0x3FB0]  }
0x2c: {  	s7 =	sld [smem:$0x3FB1]  }
0x2d: {  	s3 =	simm.s32 $0x108;
	s8 =	sld [smem:$0x3FB2]  }
0x2e: {  	s3 =	simm.s32 @!p0 $0x1082;
	s9 =	sld [smem:$0x3FB3]  }
0x2f: {  	lr =	sadd.s32 s0, s3;
	s0 =	sld [smem:$0x3FAA]  }
0x30: {  	s3 =	sld [smem:$0x3FAD]  }
0x31: {  	[smem:$0x3FB6] =	sst s10  }
0x32: {  	s10 =	sld [smem:$0x3FB4];
	_ =	sdelay $0x3  }
0x33: {  	p0 =	seq.s32 s10, $0x1;
	s10 =	sld [smem:$0x3FB6];
	_ =	sdelay $0x3  }
0x34: {  	[smem:$0x3FB6] =	sst s10  }
0x35: {  	s10 =	sld [smem:$0x3FB5];
	_ =	sdelay $0x3  }
0x36: {  	p1 =	seq.s32 s10, $0x1;
	s10 =	sld [smem:$0x3FB6];
	_ =	sdelay $0x3  }
0x37: {  	[smem:$0x3FB6] =	sst s10  }
0x38: {  	s10 =	sld [smem:$0x3FB7]  }
0x39: {  	_ = 	snop;
	(pc) =	sbr.ind lr, $3  }
0x3a: {  	_ = 	snop  }
0x3b: {  	_ = 	snop  }
0x3c: {  	p2 =	seq.s32 s10, $0x1;
	s10 =	sld [smem:$0x3FB6]  }
0x3d: {  	_ =	shalt  }
0x3e: {  	_ =	shalt  }
0x3f: {  	_ =	shalt  }
0x40: {  	_ =	shalt  }
0x41: {  	_ =	shalt  }
0x42: {  	_ =	shalt  }
0x43: {  	_ =	shalt  }
0x44: {  	_ =	shalt  }
0x45: {  	_ =	shalt  }
0x46: {  	_ =	shalt  }
0x47: {  	_ =	shalt  }
0x48: {  	_ =	shalt  }
0x49: {  	_ =	shalt  }
0x4a: {  	_ =	shalt  }
0x4b: {  	_ =	shalt  }
0x4c: {  	_ =	shalt  }
0x4d: {  	_ =	shalt  }
0x4e: {  	_ =	shalt  }
0x4f: {  	_ =	shalt  }
0x50: {  	_ =	shalt  }
0x51: {  	_ =	shalt  }
0x52: {  	_ =	shalt  }
0x53: {  	_ =	shalt  }
0x54: {  	_ =	shalt  }
0x55: {  	_ =	shalt  }
0x56: {  	_ =	shalt  }
0x57: {  	_ =	shalt  }
0x58: {  	_ =	shalt  }
0x59: {  	_ =	shalt  }
0x5a: {  	_ =	shalt  }
0x5b: {  	_ =	shalt  }
0x5c: {  	_ =	shalt  }
0x5d: {  	_ =	shalt  }
0x5e: {  	_ =	shalt  }
0x5f: {  	_ =	shalt  }
0x60: {  	_ =	shalt  }
0x61: {  	_ =	shalt  }
0x62: {  	_ =	shalt  }
0x63: {  	_ =	shalt  }
0x64: {  	_ =	shalt  }
0x65: {  	_ =	shalt  }
0x66: {  	_ =	shalt  }
0x67: {  	_ =	shalt  }
0x68: {  	_ =	shalt  }
0x69: {  	_ =	shalt  }
0x6a: {  	_ =	shalt  }
0x6b: {  	_ =	shalt  }
0x6c: {  	_ =	shalt  }
0x6d: {  	_ =	shalt  }
0x6e: {  	_ =	shalt  }
0x6f: {  	_ =	shalt  }
0x70: {  	_ =	shalt  }
0x71: {  	_ =	shalt  }
0x72: {  	_ =	shalt  }
0x73: {  	_ =	shalt  }
0x74: {  	_ =	shalt  }
0x75: {  	_ =	shalt  }
0x76: {  	_ =	shalt  }
0x77: {  	_ =	shalt  }
0x78: {  	_ =	shalt  }
0x79: {  	_ =	shalt  }
0x7a: {  	_ =	shalt  }
0x7b: {  	_ =	shalt  }
0x7c: {  	_ =	shalt  }
0x7d: {  	_ =	shalt  }
0x7e: {  	_ =	shalt  }
0x7f: {  	_ =	shalt  }
0x80: {  	_ =	shalt  }
0x81: {  	_ =	shalt  }
0x82: {  	_ =	shalt  }
0x83: {  	_ =	shalt  }
0x84: {  	_ =	shalt  }
0x85: {  	_ =	shalt  }
0x86: {  	_ =	shalt  }
0x87: {  	_ =	shalt  }
.Lfunc_end0:
.L_simem_size_0:
called_computation.1_lowered:
.L_overlay_start_0:
0x88: {  	s2 =	sld [smem:$0x3FD9]  }
0x89: {  	s3 =	sld [smem:$0x3FFE];
	_ =	sdelay $0x1  }
0x8a: {  	s1 =	srdreg.scid  }
0x8b: {  	s0 =	sand.u32 $0x1, s1  }
0x8c: {  	s16 =	sshll.u32 s0, $0xA;
	s2 =	sadd.s32 s3, s2  }
0x8d: {  	s2 =	sadd.s32 s2, s16  }
0x8e: {  	[smem:$0x3FC2] =	sst s2  }
0x8f: {  	_ = 	snop  }
0x90: {  	(tm) =	ssettm $0x1  }
0x91: {  	s17 =	sld [smem:$0x3FFB];
	_ =	sdelay $0x3  }
0x92: {  	_ =	strace s17  }
0x93: {  	s2 =	sld [smem:$0x3FFC];
	_ =	sdelay $0x3  }
0x94: {  	_ =	strace s2  }
0x95: {  	s2 =	sld [smem:$0x3FFD];
	_ =	sdelay $0x3  }
0x96: {  	_ =	strace s2  }
0x97: {  	_ =	strace $0x8FFFFFFF  }
0x98: {  	s18 =	sld [smem:$0x3FDB];
	_ =	sdelay $0x1  }
0x99: {  	s19 =	simm.s32 $_scs_section_size  }
0x9a: {  	s4 =	simm.s32 $_size__tile_overlayer_lowered;
	s5 =	simm.s32 $_tile_overlayer_lowered  }
0x9b: {  	s22 =	simm.s32 $0x1BFF;
	s21 =	sshll.u32 s5, $0x1;
	s2 =	sadd.s32 s19, s18  }
0x9c: {  	s6 =	simm.s32 $0x0;
	s20 =	sshll.u32 s4, $0x1;
	s4 =	sadd.s32 s21, s2  }
0x9d: {  	[timem:s6], [sflag:s22] =	dma.local [hbm:s4], s20  }
0x9e: {  	_ =	swait.ge [sflag:s22], s20  }
0x9f: {  	s3 =	ssub.s32 $0x0, s20;
	[sflag:s22] =	ssyncset.done $0x0  }
0xa0: {  	[sflag:s22] =	ssyncadd.s32 s3;
	_ =	sdelay $0x1  }
0xa1: {  	s23 =	simm.s32 $0x1B8B  }
0xa2: {  	_ =	swait.ge [sflag:s23], $0x1  }
0xa3: {  	[sflag:s23] =	ssyncset.done $0x0  }
0xa4: {  	s25 =	simm.s32 $0x1B8E;
	s24 =	sld [smem:$0x3FFE];
	[sflag:s23] =	ssyncadd.s32 $0xFFFFFFFF  }
0xa5: {  	s26 =	simm.s32 $execute0_lowered;
	[smem:$0x3FD2] =	sst s25  }
0xa6: {  	s4 =	sshll.u32 s26, $0x1;
	_ =	strace $0x80000049;
	[dreg:$0x1] =	wrdreg $0xFFFFFFFF  }
0xa7: {  	s28 =	simm.s32 $_size_execute0_lowered;
	s2 =	sadd.s32 s2, s4;
	[dreg:$0x0] =	wrdreg $0x0  }
0xa8: {  	s4 =	sshll.u32 s28, $0x1;
	[dreg:$0x2] =	wrdreg s2  }
0xa9: {  	[dreg:$0x3] =	wrdreg s4  }
0xaa: {  	[dreg:$0x4] =	wrdreg $0xC0  }
0xab: {  	_ =	task [dreg:s6], $0x5FFFF  }
0xac: {  	[dreg:$0x1] =	wrdreg $0xFFFFFFFF  }
0xad: {  	[dreg:$0x0] =	wrdreg $0x60  }
0xae: {  	[dreg:$0x2] =	wrdreg s24  }
0xaf: {  	[dreg:$0x3] =	wrdreg $0x99800  }
0xb0: {  	[dreg:$0x4] =	wrdreg $0x1D9800  }
0xb1: {  	[dreg:$0x5] =	wrdreg $0x9  }
0xb2: {  	_ =	task.clear_ibuf [dreg:s6], $0x6FFFF;
	_ =	strace $0x90000049  }
0xb3: {  	s29 =	simm.s32 $0x9;
	_ =	strace $0x8000004B  }
0xb4: {  	_ =	swait.ge [sflag:s29], $0x1  }
0xb5: {  	[sflag:s29] =	ssyncadd.s32 $0xFFFFFFFF  }
0xb6: {  	_ =	strace $0x9000004B  }
0xb7: {  	_ =	sfence  }
0xb8: {  	s30 =	sld [smem:$0x0];
	_ =	sdelay $0x2  }
0xb9: {  	s31 =	sshll.u32 s1, $0xD;
	s1 =	sshrl.u32 s1, $0x2  }
0xba: {  	s3 =	sand.u32 $0x4000, s31;
	s1 =	sadd.s32 s1, s30  }
0xbb: {  	s0 =	sor.u32 s3, s0;
	s1 =	sshll.u32 s1, $0x11  }
0xbc: {  	s0 =	sor.u32 s1, s0  }
0xbd: {  	s0 =	sadd.s32 $0x8F2B, s0  }
0xbe: {  	[sflag:s0] =	ssyncadd.remote.s32 $0x1  }
0xbf: {  	_ =	sfence.sel $0xFFFF  }
0xc0: {  	[dreg:$0x0] =	wrdreg $0xFFFFFFFF;
	(pc) =	sbr.abs _section_cstart, $3  }
0xc1: {  	[dreg:$0x1] =	wrdreg $0xFFFFFFFF  }
0xc2: {  	_ =	task.clear_ibuf [dreg:s6], $0x2FFFF;
	_ =	strace $0x9FFFFFFF  }
0xc3: {  	(tm) =	ssettm $0x7FFFFFFF  }
tec
execute0_lowered:
.L_overlay_start_1:
0x0: {  	(tag) =	ssettag $0x1  }
0x1: {  	s0 =	rddreg [dreg:$0x0]  }
0x2: {  	s2 =	rddreg [dreg:$0x1]  }
0x3: {  	s17 =	rddreg [dreg:$0x2];
	s3 =	srdreg.scid;
	s4 =	simm.s32 $0x0  }
0x4: {  	s14 =	stileid.u32;
	s31 =	simm.s32 $0x800;
	s28 =	simm.s32 $0xB  }
0x5: {  	s29 =	simm.s32 $0x7;
	s30 =	simm.s32 $0xC;
	s10 =	smul.u32 $0x14000, s14  }
0x6: {  	s3 =	sand.u32 $0x1, s3;
	[smem:$0x7FF] =	sst s4;
	s11 =	smul.u32 $0x500, s14  }
0x7: {  	s5 =	sadd.s32 $0x38A00, s0;
	s6 =	sadd.s32 $0x1E00, s0;
	s24 =	smul.u32 $0x50000, s14  }
0x8: {  	s7 =	sadd.s32 $0x10000, s0;
	s8 =	sadd.s32 $0x38000, s0;
	s13 =	smul.u32 $0xA00, s14  }
0x9: {  	s21 =	sadd.s32 $0xFE00, s0;
	s22 =	sadd.s32 $0x6EA00, s0;
	s9 =	smul.u32 $0x140000, s3  }
0xa: {  	_ =	strace $0x8000004A;
	s12 =	sshll.u32 s3, $0x7;
	[dreg:$0x4] =	wrdreg s21  }
0xb: {  	[dreg:$0x5] =	wrdreg s22;
	s23 =	ssub.s32 $0x2, s3;
	s3 =	sshll.u32 s3, $0x4  }
0xc: {  	s20 =	sor.u32 s12, s11;
	s25 =	sshrl.u32 s23, $0x1;
	s3 =	sor.u32 s14, s3  }
0xd: {  	s26 =	sshrl.u32 s24, $0x2;
	s12 =	sshll.u32 s14, $0x6;
	s14 =	sshrl.u32 s13, $0x2  }
0xe: {  	s9 =	sadd.s32 s10, s9;
	s10 =	sshrl.u32 s20, $0x3;
	s1 =	sadd.s32 s26, s2  }
0xf: {  	s11 =	smul.u32 $0x3800, s3;
	s15 =	sadd.s32 s14, s17;
	[dreg:$0x6] =	wrdreg s1  }
0x10: {  	s13 =	sor.u32 $0x1C0E, s12;
	s9 =	sshrl.u32 s9, $0x3;
	[dreg:$0x8] =	wrdreg s15  }
0x11: {  	s1 =	simm.s32 $0x9800;
	s15 =	simm.s32 $0x1;
	[dreg:$0x7] =	wrdreg s13  }
0x12: {  	s9 =	sadd.s32 s9, s0;
	s0 =	sadd.s32 s10, s0;
	s16 =	sshrl.u32 s11, $0x3  }
0x13: {  	s10 =	ssub.s32 s23, s25;
	s18 =	sadd.s32 s5, s16;
	s19 =	sadd.s32 s6, s16  }
0x14: {  	s20 =	sor.u32 $0x10, s16;
	s22 =	sor.u32 $0x20, s16;
	[dreg:$0x9] =	wrdreg s18  }
0x15: {  	s3 =	sor.u32 $0x30, s16;
	s25 =	sadd.s32 $0x71200, s9;
	[dreg:$0xa] =	wrdreg s19  }
0x16: {  	s0 =	sadd.s32 $0xC1200, s0;
	s26 =	smax.u32 s10, $0x1;
	[dreg:$0x11] =	wrdreg s25  }
0x17: {  	s9 =	simm.s32 $0xE;
	s10 =	simm.s32 $0x0;
	[dreg:$0x12] =	wrdreg s0  }
0x18: {  	s21 =	sadd.s32 s5, s20;
	s12 =	sadd.s32 s6, s20;
	[dreg:$0x13] =	wrdreg s26  }
0x19: {  	s23 =	sadd.s32 s5, s22;
	s24 =	sadd.s32 s5, s3;
	[dreg:$0xb] =	wrdreg s21  }
0x1a: {  	s3 =	sadd.s32 s6, s3;
	s0 =	simm.s32 $0x60;
	[dreg:$0xc] =	wrdreg s12  }
0x1b: {  	s25 =	simm.s32 $0x6800;
	s26 =	simm.s32 $0x9900;
	[dreg:$0xd] =	wrdreg s23  }
0x1c: {  	s19 =	simm.s32 $0x6;
	s20 =	simm.s32 $0x8;
	[dreg:$0xf] =	wrdreg s24  }
0x1d: {  	s18 =	simm.s32 $0x6800;
	s12 =	sadd.s32 s6, s22;
	[dreg:$0x10] =	wrdreg s3  }
0x1e: {  	s21 =	simm.s32 $0x4;
	s22 =	simm.s32 $0x9;
	[dreg:$0xe] =	wrdreg s12  }
.LBB2_1:
0x1f: {  	[dreg:$0x14] =	wrdreg s10  }
0x20: {  	s3 =	rddreg [dreg:$0x6]  }
0x21: {  	s24 =	rddreg [dreg:$0x5];
	s23 =	sshrl.u32 s3, $0x3  }
0x22: {  	[dreg:$0x15] =	wrdreg s23  }
0x23: {  	[spmem:s23], [sflag:s13] =	dma.local [hbm:s24], $0x2800  }
0x24: {  	_ =	swait.ge [sflag:s9], $0x2800  }
0x25: {  	s12 =	rddreg [dreg:$0x8]  }
0x26: {  	[sflag:s9] =	ssyncset.done $0x0;
	s16 =	rddreg [dreg:$0x4];
	s14 =	sshrl.u32 s12, $0x3  }
0x27: {  	[sflag:s9] =	ssyncadd.s32 $0xFFFFD800;
	[dreg:$0x16] =	wrdreg s14  }
0x28: {  	[spmem:s14], [sflag:s13] =	dma.local [hbm:s16], $0x50  }
0x29: {  	_ =	swait.ge [sflag:s9], $0x50  }
0x2a: {  	[sflag:s9] =	ssyncset.done $0x0  }
0x2b: {  	s23 =	rddreg [dreg:$0x9];
	[sflag:s9] =	ssyncadd.s32 $0xFFFFFFB0  }
0x2c: {  	[tilespmem:s4], [sflag:$0xE] =	stream.linear.gather [hbm4b:s23+s4], $0x80, $0x38;
	[tilespmem:$0x1DC00] =	vst v63  }
0x2d: {  	_ =	swait.ge [sflag:s9], $0x80  }
0x2e: {  	[sflag:s9] =	ssyncset.done $0x0  }
0x2f: {  	s10 =	simm.s32 $0x400;
	s24 =	rddreg [dreg:$0xa];
	[sflag:s9] =	ssyncadd.s32 $0xFFFFFF80  }
0x30: {  	[tilespmem:s10], [sflag:$0xE] =	stream.linear.gather [hbm4b:s24+s4], $0x80, $0x38;
	[tilespmem:$0x1DC00] =	vst v63  }
0x31: {  	_ =	swait.ge [sflag:s9], $0x80  }
0x32: {  	[sflag:s9] =	ssyncset.done $0x0  }
0x33: {  	s13 =	simm.s32 $0x80;
	s12 =	rddreg [dreg:$0xb];
	[sflag:s9] =	ssyncadd.s32 $0xFFFFFF80  }
0x34: {  	[tilespmem:s13], [sflag:$0xE] =	stream.linear.gather [hbm4b:s12+s4], $0x80, $0x38;
	[tilespmem:$0x1DC00] =	vst v63  }
0x35: {  	_ =	swait.ge [sflag:s9], $0x80  }
0x36: {  	[sflag:s9] =	ssyncset.done $0x0  }
0x37: {  	s16 =	simm.s32 $0x480;
	s14 =	rddreg [dreg:$0xc];
	[sflag:s9] =	ssyncadd.s32 $0xFFFFFF80  }
0x38: {  	[tilespmem:s16], [sflag:$0xE] =	stream.linear.gather [hbm4b:s14+s4], $0x80, $0x38;
	[tilespmem:$0x1DC00] =	vst v63  }
0x39: {  	_ =	swait.ge [sflag:s9], $0x80  }
0x3a: {  	[sflag:s9] =	ssyncset.done $0x0  }
0x3b: {  	s24 =	simm.s32 $0x100;
	s23 =	rddreg [dreg:$0xd];
	[sflag:s9] =	ssyncadd.s32 $0xFFFFFF80  }
0x3c: {  	[tilespmem:s24], [sflag:$0x1] =	stream.linear.gather [hbm4b:s23+s4], $0x80, $0x38;
	[tilespmem:$0x1DC00] =	vst v63  }
0x3d: {  	s14 =	simm.s32 $0x500;
	s12 =	rddreg [dreg:$0xe]  }
0x3e: {  	[tilespmem:s14], [sflag:$0x1] =	stream.linear.gather [hbm4b:s12+s4], $0x80, $0x38;
	[tilespmem:$0x1DC00] =	vst v63  }
0x3f: {  	s23 =	rddreg [dreg:$0xf];
	s24 =	simm.s32 $0x180  }
0x40: {  	[tilespmem:s24], [sflag:$0x1] =	stream.linear.gather [hbm4b:s23+s4], $0x80, $0x38;
	[tilespmem:$0x1DC00] =	vst v63  }
0x41: {  	s9 =	rddreg [dreg:$0x10];
	s12 =	simm.s32 $0x580  }
0x42: {  	[tilespmem:s12], [sflag:$0x1] =	stream.linear.gather [hbm4b:s9+s4], $0x80, $0x38;
	[tilespmem:$0x1DC00] =	vst v63  }
0x43: {  	[bflag:$0x0] =	sbarrier.arrive $0xFFFF  }
0x44: {  	[tilespmem:s31], [sflag:$0x2] =	stream.indirect.gather [hbm4b:s7+s0], $0x80, s4, s0, $0xb8;
	[tilespmem:$0x1DC00] =	vst v63  }
0x45: {  	_ = 	snop  }
0x46: {  	[tilespmem:s1], [sflag:$0x5] =	stream.indirect.gather [hbm4b:s8+s0], $0x1, s10, s0, $0xb8;
	[tilespmem:$0x1DC00] =	vst v63  }
0x47: {  	s10 =	simm.s32 $0x3800  }
0x48: {  	[tilespmem:s10], [sflag:$0x3] =	stream.indirect.gather [hbm4b:s7+s0], $0x80, s13, s0, $0xb8;
	[tilespmem:$0x1DC00] =	vst v63  }
0x49: {  	s14 =	simm.s32 $0x2;
	s1 =	simm.s32 $0x9880  }
0x4a: {  	[tilespmem:s1], [sflag:$0x6] =	stream.indirect.gather [hbm4b:s8+s0], $0x1, s16, s0, $0xb8;
	[tilespmem:$0x1DC00] =	vst v63  }
0x4b: {  	s13 =	simm.s32 $0x0;
	_ =	swait.ge [sflag:s14], $0x3000  }
0x4c: {  	s3 =	sand.u32 $0x380, s13;
	[sflag:s14] =	ssyncset.done $0x0  }
0x4d: {  	s23 =	simm.s32 $0x5;
	s16 =	sor.u32 $0x400, s3;
	[sflag:s14] =	ssyncadd.s32 $0xFFFFD000  }
0x4e: {  	[spmem:s2] =	stream.indirect.scatter.add.f32 [tilespmem:s31], [sflag:$0x8], $0x80, s16, s0, $0xb8;
	[tilespmem:$0x1DC00] =	vst v63  }
0x4f: {  	_ =	swait.ge [sflag:s23], $0x60  }
0x50: {  	p0 =	por $0x1, $0x1;
	[sflag:s23] =	ssyncset.done $0x0  }
0x51: {  	s9 =	simm.s32 $0x9800;
	[sflag:s23] =	ssyncadd.s32 $0xFFFFFFA0;
	s23 =	simm.s32 @!p0 $0xA  }
0x52: {  	[spmem:s17] =	stream.indirect.scatter.add.f32 [tilespmem:s9], [sflag:$0xB], $0x1, s3, s0, $0xb8;
	[tilespmem:$0x1DC00] =	vst v63  }
0x53: {  	s24 =	simm.s32 $0x200;
	_ =	swait.ge @!p0 [sflag:s23], $0x3000  }
0x54: {  	s14 =	sand.u32 $0x380, s24;
	s3 =	sand.u32 $0xFC00, s24;
	[sflag:s23] =	ssyncset.done @!p0 $0x0  }
0x55: {  	s24 =	simm.s32 @!p0 $0xD;
	s3 =	sadd.s32 s11, s3;
	[sflag:s23] =	ssyncadd.s32 @!p0 $0xFFFFD000  }
0x56: {  	s3 =	sor.u32 s14, s3;
	_ =	swait.ge @!p0 [sflag:s24], $0x60  }
0x57: {  	s3 =	sshrl.u32 s3, $0x3;
	[sflag:s24] =	ssyncset.done @!p0 $0x0  }
0x58: {  	s12 =	sadd.s32 s5, s3;
	[sflag:s24] =	ssyncadd.s32 @!p0 $0xFFFFFFA0  }
0x59: {  	[tilespmem:s14], [sflag:$0x1] =	stream.linear.gather [hbm4b:s12+s4], $0x80, $0x38;
	[tilespmem:$0x1DC00] =	vst v63  }
0x5a: {  	s23 =	sor.u32 $0x400, s14;
	s3 =	sadd.s32 s6, s3  }
0x5b: {  	[tilespmem:s23], [sflag:$0x1] =	stream.linear.gather [hbm4b:s3+s4], $0x80, $0x38;
	[tilespmem:$0x1DC00] =	vst v63  }
0x5c: {  	_ =	swait.ge [sflag:s15], $0x80  }
0x5d: {  	[sflag:s15] =	ssyncset.done $0x0  }
0x5e: {  	[sflag:s15] =	ssyncadd.s32 $0xFFFFFF80  }
0x5f: {  	_ =	swait.ge [sflag:s15], $0x80  }
0x60: {  	s13 =	simm.s32 $0x100;
	[sflag:s15] =	ssyncset.done $0x0  }
0x61: {  	s13 =	sand.u32 $0x380, s13;
	[sflag:s15] =	ssyncadd.s32 $0xFFFFFF80  }
0x62: {  	[tilespmem:s25], [sflag:$0x4] =	stream.indirect.gather [hbm4b:s7+s0], $0x80, s13, s0, $0xb8;
	[tilespmem:$0x1DC00] =	vst v63  }
0x63: {  	s24 =	sor.u32 $0x400, s13  }
0x64: {  	[tilespmem:s26], [sflag:$0x7] =	stream.indirect.gather [hbm4b:s8+s0], $0x1, s24, s0, $0xb8;
	[tilespmem:$0x1DC00] =	vst v63  }
0x65: {  	s26 =	simm.s32 $0x3  }
0x66: {  	s16 =	simm.s32 $0x80;
	_ =	swait.ge [sflag:s26], $0x3000  }
0x67: {  	s25 =	sand.u32 $0x380, s16;
	[sflag:s26] =	ssyncset.done $0x0  }
0x68: {  	s16 =	sor.u32 $0x400, s25;
	[sflag:s26] =	ssyncadd.s32 $0xFFFFD000  }
0x69: {  	[spmem:s2] =	stream.indirect.scatter.add.f32 [tilespmem:s10], [sflag:$0x9], $0x80, s16, s0, $0xb8;
	[tilespmem:$0x1DC00] =	vst v63  }
0x6a: {  	_ =	swait.ge [sflag:s19], $0x60  }
0x6b: {  	[sflag:s19] =	ssyncset.done $0x0  }
0x6c: {  	[sflag:s19] =	ssyncadd.s32 $0xFFFFFFA0  }
0x6d: {  	[spmem:s17] =	stream.indirect.scatter.add.f32 [tilespmem:s1], [sflag:$0xC], $0x1, s25, s0, $0xb8;
	[tilespmem:$0x1DC00] =	vst v63  }
0x6e: {  	s1 =	simm.s32 $0x280;
	_ =	swait.ge [sflag:s20], $0x3000  }
0x6f: {  	s3 =	sand.u32 $0xFC00, s1;
	[sflag:s20] =	ssyncset.done $0x0  }
0x70: {  	s25 =	sand.u32 $0x380, s1;
	s26 =	sadd.s32 s11, s3;
	[sflag:s20] =	ssyncadd.s32 $0xFFFFD000  }
0x71: {  	s26 =	sor.u32 s25, s26;
	_ =	swait.ge [sflag:s28], $0x60  }
0x72: {  	s26 =	sshrl.u32 s26, $0x3;
	[sflag:s28] =	ssyncset.done $0x0  }
0x73: {  	s16 =	sadd.s32 s5, s26;
	[sflag:s28] =	ssyncadd.s32 $0xFFFFFFA0  }
0x74: {  	[tilespmem:s25], [sflag:$0x1] =	stream.linear.gather [hbm4b:s16+s4], $0x80, $0x38;
	[tilespmem:$0x1DC00] =	vst v63  }
0x75: {  	s1 =	sor.u32 $0x400, s25;
	s16 =	sadd.s32 s6, s26  }
0x76: {  	[tilespmem:s1], [sflag:$0x1] =	stream.linear.gather [hbm4b:s16+s4], $0x80, $0x38;
	[tilespmem:$0x1DC00] =	vst v63  }
0x77: {  	_ =	swait.ge [sflag:s15], $0x80  }
0x78: {  	[sflag:s15] =	ssyncset.done $0x0  }
0x79: {  	[sflag:s15] =	ssyncadd.s32 $0xFFFFFF80  }
0x7a: {  	_ =	swait.ge [sflag:s15], $0x80  }
0x7b: {  	s16 =	simm.s32 $0x180;
	[sflag:s15] =	ssyncset.done $0x0  }
0x7c: {  	s3 =	sand.u32 $0x380, s16;
	[sflag:s15] =	ssyncadd.s32 $0xFFFFFF80  }
0x7d: {  	[tilespmem:s31], [sflag:$0x2] =	stream.indirect.gather [hbm4b:s7+s0], $0x80, s3, s0, $0xb8;
	[tilespmem:$0x1DC00] =	vst v63  }
0x7e: {  	s3 =	sor.u32 $0x400, s3  }
0x7f: {  	[tilespmem:s9], [sflag:$0x5] =	stream.indirect.gather [hbm4b:s8+s0], $0x1, s3, s0, $0xb8;
	[tilespmem:$0x1DC00] =	vst v63  }
0x80: {  	_ =	swait.ge [sflag:s21], $0x3000  }
0x81: {  	[sflag:s21] =	ssyncset.done $0x0  }
0x82: {  	s12 =	simm.s32 $0x6800;
	[sflag:s21] =	ssyncadd.s32 $0xFFFFD000  }
0x83: {  	[spmem:s2] =	stream.indirect.scatter.add.f32 [tilespmem:s12], [sflag:$0xA], $0x80, s24, s0, $0xb8;
	[tilespmem:$0x1DC00] =	vst v63  }
0x84: {  	_ =	swait.ge [sflag:s29], $0x60  }
0x85: {  	[sflag:s29] =	ssyncset.done $0x0  }
0x86: {  	s26 =	simm.s32 $0x9900;
	[sflag:s29] =	ssyncadd.s32 $0xFFFFFFA0  }
0x87: {  	[spmem:s17] =	stream.indirect.scatter.add.f32 [tilespmem:s26], [sflag:$0xD], $0x1, s13, s0, $0xb8;
	[tilespmem:$0x1DC00] =	vst v63  }
0x88: {  	s24 =	simm.s32 $0x300;
	_ =	swait.ge [sflag:s22], $0x3000  }
0x89: {  	s25 =	sand.u32 $0xFC00, s24;
	[sflag:s22] =	ssyncset.done $0x0  }
0x8a: {  	s3 =	sand.u32 $0x380, s24;
	s13 =	sadd.s32 s11, s25;
	[sflag:s22] =	ssyncadd.s32 $0xFFFFD000  }
0x8b: {  	s13 =	sor.u32 s3, s13;
	_ =	swait.ge [sflag:s30], $0x60  }
0x8c: {  	s13 =	sshrl.u32 s13, $0x3;
	[sflag:s30] =	ssyncset.done $0x0  }
0x8d: {  	s26 =	sadd.s32 s5, s13;
	[sflag:s30] =	ssyncadd.s32 $0xFFFFFFA0  }
0x8e: {  	[tilespmem:s3], [sflag:$0x1] =	stream.linear.gather [hbm4b:s26+s4], $0x80, $0x38;
	[tilespmem:$0x1DC00] =	vst v63  }
0x8f: {  	s13 =	sadd.s32 s6, s13;
	s3 =	sor.u32 $0x400, s3  }
0x90: {  	[tilespmem:s3], [sflag:$0x1] =	stream.linear.gather [hbm4b:s13+s4], $0x80, $0x38;
	[tilespmem:$0x1DC00] =	vst v63  }
0x91: {  	_ =	swait.ge [sflag:s15], $0x80  }
0x92: {  	[sflag:s15] =	ssyncset.done $0x0  }
0x93: {  	[sflag:s15] =	ssyncadd.s32 $0xFFFFFF80  }
0x94: {  	_ =	swait.ge [sflag:s15], $0x80  }
0x95: {  	[sflag:s15] =	ssyncset.done $0x0  }
0x96: {  	s24 =	simm.s32 $0x480;
	[sflag:s15] =	ssyncadd.s32 $0xFFFFFF80  }
0x97: {  	[tilespmem:s10], [sflag:$0x3] =	stream.indirect.gather [hbm4b:s7+s0], $0x80, s14, s0, $0xb8;
	[tilespmem:$0x1DC00] =	vst v63  }
.LBB2_2:
0x98: {  	s3 =	sadd.s32 $0xFFFFFD00, s24;
	s25 =	smov.u32 s24  }
0x99: {  	s24 =	sadd.s32 $0x180, s24;
	s16 =	simm.s32 $0x9880;
	s1 =	simm.s32 $0x2  }
0x9a: {  	[tilespmem:s16], [sflag:$0x6] =	stream.indirect.gather [hbm4b:s8+s0], $0x1, s23, s0, $0xb8;
	[tilespmem:$0x1DC00] =	vst v63  }
0x9b: {  	s3 =	sand.u32 $0x380, s3;
	p0 =	sne.s32 s24, $0x3780;
	_ =	swait.ge [sflag:s1], $0x3000  }
0x9c: {  	s13 =	sor.u32 $0x400, s3;
	[sflag:s1] =	ssyncset.done $0x0  }
0x9d: {  	[sflag:s1] =	ssyncadd.s32 $0xFFFFD000;
	s1 =	simm.s32 $0x5  }
0x9e: {  	[spmem:s2] =	stream.indirect.scatter.add.f32 [tilespmem:s31], [sflag:$0x8], $0x80, s13, s0, $0xb8;
	[tilespmem:$0x1DC00] =	vst v63  }
0x9f: {  	s12 =	simm.s32 $0x9900;
	_ =	swait.ge [sflag:s1], $0x60  }
0xa0: {  	s14 =	simm.s32 $0x9800;
	p1 =	seq.s32 s25, $0x300;
	[sflag:s1] =	ssyncset.done $0x0  }
0xa1: {  	s26 =	sadd.s32 $0xFFFFFF00, s25;
	s23 =	simm.s32 @!p1 $0xA;
	[sflag:s1] =	ssyncadd.s32 $0xFFFFFFA0  }
0xa2: {  	[spmem:s17] =	stream.indirect.scatter.add.f32 [tilespmem:s14], [sflag:$0xB], $0x1, s3, s0, $0xb8;
	[tilespmem:$0x1DC00] =	vst v63  }
0xa3: {  	s13 =	sand.u32 $0x380, s26;
	s3 =	sand.u32 $0xFC00, s26;
	_ =	swait.ge @!p1 [sflag:s23], $0x3000  }
0xa4: {  	s26 =	simm.s32 @!p1 $0xD;
	s3 =	sadd.s32 s11, s3;
	[sflag:s23] =	ssyncset.done @!p1 $0x0  }
0xa5: {  	s3 =	sor.u32 s13, s3;
	[sflag:s23] =	ssyncadd.s32 @!p1 $0xFFFFD000  }
0xa6: {  	s3 =	sshrl.u32 s3, $0x3;
	_ =	swait.ge @!p1 [sflag:s26], $0x60  }
0xa7: {  	s31 =	sadd.s32 s5, s3;
	[sflag:s26] =	ssyncset.done @!p1 $0x0  }
0xa8: {  	s23 =	sor.u32 $0x400, s13;
	s3 =	sadd.s32 s6, s3;
	[sflag:s26] =	ssyncadd.s32 @!p1 $0xFFFFFFA0  }
0xa9: {  	[tilespmem:s13], [sflag:$0x1] =	stream.linear.gather [hbm4b:s31+s4], $0x80, $0x38;
	[tilespmem:$0x1DC00] =	vst v63  }
0xaa: {  	_ = 	snop  }
0xab: {  	[tilespmem:s23], [sflag:$0x1] =	stream.linear.gather [hbm4b:s3+s4], $0x80, $0x38;
	[tilespmem:$0x1DC00] =	vst v63  }
0xac: {  	_ =	swait.ge [sflag:s15], $0x80  }
0xad: {  	[sflag:s15] =	ssyncset.done $0x0  }
0xae: {  	[sflag:s15] =	ssyncadd.s32 $0xFFFFFF80  }
0xaf: {  	s3 =	sadd.s32 $0xFFFFFE00, s25;
	_ =	swait.ge [sflag:s15], $0x80  }
0xb0: {  	s26 =	sand.u32 $0x380, s3;
	[sflag:s15] =	ssyncset.done $0x0  }
0xb1: {  	s3 =	sor.u32 $0x400, s26;
	[sflag:s15] =	ssyncadd.s32 $0xFFFFFF80  }
0xb2: {  	[tilespmem:s18], [sflag:$0x4] =	stream.indirect.gather [hbm4b:s7+s0], $0x80, s26, s0, $0xb8;
	[tilespmem:$0x1DC00] =	vst v63  }
0xb3: {  	s1 =	simm.s32 $0x3;
	s31 =	sadd.s32 $0xFFFFFD80, s25  }
0xb4: {  	[tilespmem:s12], [sflag:$0x7] =	stream.indirect.gather [hbm4b:s8+s0], $0x1, s3, s0, $0xb8;
	[tilespmem:$0x1DC00] =	vst v63  }
0xb5: {  	s31 =	sand.u32 $0x380, s31;
	_ =	swait.ge [sflag:s1], $0x3000  }
0xb6: {  	s9 =	sor.u32 $0x400, s31;
	[sflag:s1] =	ssyncset.done $0x0  }
0xb7: {  	[sflag:s1] =	ssyncadd.s32 $0xFFFFD000  }
0xb8: {  	[spmem:s2] =	stream.indirect.scatter.add.f32 [tilespmem:s10], [sflag:$0x9], $0x80, s9, s0, $0xb8;
	[tilespmem:$0x1DC00] =	vst v63  }
0xb9: {  	_ =	swait.ge [sflag:s19], $0x60  }
0xba: {  	[sflag:s19] =	ssyncset.done $0x0  }
0xbb: {  	s1 =	simm.s32 $0x9880;
	s9 =	sadd.s32 $0xFFFFFF80, s25;
	[sflag:s19] =	ssyncadd.s32 $0xFFFFFFA0  }
0xbc: {  	[spmem:s17] =	stream.indirect.scatter.add.f32 [tilespmem:s16], [sflag:$0xC], $0x1, s31, s0, $0xb8;
	[tilespmem:$0x1DC00] =	vst v63  }
0xbd: {  	s31 =	sand.u32 $0xFC00, s9;
	_ =	swait.ge [sflag:s20], $0x3000  }
0xbe: {  	s9 =	sand.u32 $0x380, s9;
	s31 =	sadd.s32 s11, s31;
	[sflag:s20] =	ssyncset.done $0x0  }
0xbf: {  	s31 =	sor.u32 s9, s31;
	[sflag:s20] =	ssyncadd.s32 $0xFFFFD000  }
0xc0: {  	s31 =	sshrl.u32 s31, $0x3;
	_ =	swait.ge [sflag:s28], $0x60  }
0xc1: {  	s10 =	sadd.s32 s5, s31;
	[sflag:s28] =	ssyncset.done $0x0  }
0xc2: {  	s16 =	sor.u32 $0x400, s9;
	s31 =	sadd.s32 s6, s31;
	[sflag:s28] =	ssyncadd.s32 $0xFFFFFFA0  }
0xc3: {  	[tilespmem:s9], [sflag:$0x1] =	stream.linear.gather [hbm4b:s10+s4], $0x80, $0x38;
	[tilespmem:$0x1DC00] =	vst v63  }
0xc4: {  	_ = 	snop  }
0xc5: {  	[tilespmem:s16], [sflag:$0x1] =	stream.linear.gather [hbm4b:s31+s4], $0x80, $0x38;
	[tilespmem:$0x1DC00] =	vst v63  }
0xc6: {  	s31 =	simm.s32 $0x800  }
0xc7: {  	_ =	swait.ge [sflag:s15], $0x80  }
0xc8: {  	[sflag:s15] =	ssyncset.done $0x0  }
0xc9: {  	[sflag:s15] =	ssyncadd.s32 $0xFFFFFF80  }
0xca: {  	s9 =	sadd.s32 $0xFFFFFE80, s25;
	_ =	swait.ge [sflag:s15], $0x80  }
0xcb: {  	s9 =	sand.u32 $0x380, s9;
	[sflag:s15] =	ssyncset.done $0x0  }
0xcc: {  	s10 =	sor.u32 $0x400, s9;
	[sflag:s15] =	ssyncadd.s32 $0xFFFFFF80  }
0xcd: {  	[tilespmem:s31], [sflag:$0x2] =	stream.indirect.gather [hbm4b:s7+s0], $0x80, s9, s0, $0xb8;
	[tilespmem:$0x1DC00] =	vst v63  }
0xce: {  	_ = 	snop  }
0xcf: {  	[tilespmem:s14], [sflag:$0x5] =	stream.indirect.gather [hbm4b:s8+s0], $0x1, s10, s0, $0xb8;
	[tilespmem:$0x1DC00] =	vst v63  }
0xd0: {  	_ =	swait.ge [sflag:s21], $0x3000  }
0xd1: {  	[sflag:s21] =	ssyncset.done $0x0  }
0xd2: {  	[sflag:s21] =	ssyncadd.s32 $0xFFFFD000  }
0xd3: {  	[spmem:s2] =	stream.indirect.scatter.add.f32 [tilespmem:s18], [sflag:$0xA], $0x80, s3, s0, $0xb8;
	[tilespmem:$0x1DC00] =	vst v63  }
0xd4: {  	_ =	swait.ge [sflag:s29], $0x60  }
0xd5: {  	[sflag:s29] =	ssyncset.done $0x0  }
0xd6: {  	[sflag:s29] =	ssyncadd.s32 $0xFFFFFFA0  }
0xd7: {  	[spmem:s17] =	stream.indirect.scatter.add.f32 [tilespmem:s12], [sflag:$0xD], $0x1, s26, s0, $0xb8;
	[tilespmem:$0x1DC00] =	vst v63  }
0xd8: {  	s26 =	simm.s32 $0x9900  }
0xd9: {  	s3 =	sand.u32 $0xFC00, s25;
	_ =	swait.ge [sflag:s22], $0x3000  }
0xda: {  	s9 =	sand.u32 $0x380, s25;
	s3 =	sadd.s32 s11, s3;
	[sflag:s22] =	ssyncset.done $0x0  }
0xdb: {  	s3 =	sor.u32 s9, s3;
	[sflag:s22] =	ssyncadd.s32 $0xFFFFD000  }
0xdc: {  	s3 =	sshrl.u32 s3, $0x3;
	_ =	swait.ge [sflag:s30], $0x60  }
0xdd: {  	s10 =	sadd.s32 s5, s3;
	[sflag:s30] =	ssyncset.done $0x0  }
0xde: {  	s16 =	sor.u32 $0x400, s9;
	s3 =	sadd.s32 s6, s3;
	[sflag:s30] =	ssyncadd.s32 $0xFFFFFFA0  }
0xdf: {  	[tilespmem:s9], [sflag:$0x1] =	stream.linear.gather [hbm4b:s10+s4], $0x80, $0x38;
	[tilespmem:$0x1DC00] =	vst v63  }
0xe0: {  	s10 =	simm.s32 $0x3800;
	_ =	sdelay $0x1  }
0xe1: {  	[tilespmem:s16], [sflag:$0x1] =	stream.linear.gather [hbm4b:s3+s4], $0x80, $0x38;
	[tilespmem:$0x1DC00] =	vst v63  }
0xe2: {  	_ =	swait.ge [sflag:s15], $0x80  }
0xe3: {  	[sflag:s15] =	ssyncset.done $0x0  }
.Ltmp0:
0xe4: {  	[sflag:s15] =	ssyncadd.s32 $0xFFFFFF80;
	(pc) =	sbr.rel @p0 .LBB2_2-.Ltmp0, $4  }
0xe5: {  	_ =	swait.ge [sflag:s15], $0x80  }
0xe6: {  	[sflag:s15] =	ssyncset.done $0x0  }
0xe7: {  	[sflag:s15] =	ssyncadd.s32 $0xFFFFFF80  }
0xe8: {  	[tilespmem:s10], [sflag:$0x3] =	stream.indirect.gather [hbm4b:s7+s0], $0x80, s13, s0, $0xb8;
	[tilespmem:$0x1DC00] =	vst v63  }
0xe9: {  	[tilespmem:s1], [sflag:$0x6] =	stream.indirect.gather [hbm4b:s8+s0], $0x1, s23, s0, $0xb8;
	[tilespmem:$0x1DC00] =	vst v63  }
0xea: {  	s3 =	simm.s32 $0xA  }
0xeb: {  	_ =	swait.ge [sflag:s3], $0x3000  }
0xec: {  	[sflag:s3] =	ssyncset.done $0x0  }
0xed: {  	s9 =	simm.s32 $0xD;
	[sflag:s3] =	ssyncadd.s32 $0xFFFFD000  }
0xee: {  	_ =	swait.ge [sflag:s9], $0x60  }
0xef: {  	[sflag:s9] =	ssyncset.done $0x0  }
0xf0: {  	s10 =	simm.s32 $0x2;
	[sflag:s9] =	ssyncadd.s32 $0xFFFFFFA0  }
0xf1: {  	_ =	swait.ge [sflag:s10], $0x3000  }
0xf2: {  	[sflag:s10] =	ssyncset.done $0x0  }
0xf3: {  	s12 =	simm.s32 $0x5;
	[sflag:s10] =	ssyncadd.s32 $0xFFFFD000  }
0xf4: {  	_ =	swait.ge [sflag:s12], $0x60  }
0xf5: {  	[sflag:s12] =	ssyncset.done $0x0  }
0xf6: {  	s13 =	simm.s32 $0x3;
	[sflag:s12] =	ssyncadd.s32 $0xFFFFFFA0  }
0xf7: {  	_ =	swait.ge [sflag:s13], $0x3000  }
0xf8: {  	[sflag:s13] =	ssyncset.done $0x0  }
0xf9: {  	[sflag:s13] =	ssyncadd.s32 $0xFFFFD000  }
0xfa: {  	_ =	swait.ge [sflag:s19], $0x60  }
0xfb: {  	[sflag:s19] =	ssyncset.done $0x0  }
0xfc: {  	[sflag:s19] =	ssyncadd.s32 $0xFFFFFFA0  }
0xfd: {  	_ =	swait.ge [sflag:s15], $0x80  }
0xfe: {  	[sflag:s15] =	ssyncset.done $0x0  }
0xff: {  	[sflag:s15] =	ssyncadd.s32 $0xFFFFFF80  }
0x100: {  	_ =	swait.ge [sflag:s15], $0x80  }
0x101: {  	[sflag:s15] =	ssyncset.done $0x0  }
0x102: {  	[sflag:s15] =	ssyncadd.s32 $0xFFFFFF80  }
0x103: {  	_ =	swait.ge [sflag:s15], $0x80  }
0x104: {  	[sflag:s15] =	ssyncset.done $0x0  }
0x105: {  	[sflag:s15] =	ssyncadd.s32 $0xFFFFFF80  }
0x106: {  	_ =	swait.ge [sflag:s15], $0x80  }
0x107: {  	[sflag:s15] =	ssyncset.done $0x0  }
0x108: {  	[sflag:s15] =	ssyncadd.s32 $0xFFFFFF80  }
0x109: {  	[bflag:$0x0] =	sbarrier.arrive $0xFFFF  }
0x10a: {  	s13 =	rddreg [dreg:$0x7]  }
0x10b: {  	s3 =	rddreg [dreg:$0x11]  }
0x10c: {  	s9 =	simm.s32 $0xE;
	s14 =	rddreg [dreg:$0x15]  }
0x10d: {  	[hbm:s3], [sflag:s13] =	dma.local [spmem:s14], $0x2800  }
0x10e: {  	_ =	swait.ge [sflag:s9], $0x2800  }
0x10f: {  	s23 =	simm.s32 $0x20;
	[sflag:s9] =	ssyncset.done $0x0;
	s16 =	rddreg [dreg:$0x12]  }
0x110: {  	s10 =	simm.s32 $0x10;
	s12 =	rddreg [dreg:$0x16];
	[sflag:s9] =	ssyncadd.s32 $0xFFFFD800  }
0x111: {  	[hbm:s16@s23], [sflag:s13] =	dma.strided [spmem:s12@s10], $0x50, s15, $0x10   }
0x112: {  	_ =	swait.ge [sflag:s9], $0x50  }
0x113: {  	s24 =	rddreg [dreg:$0x14]  }
0x114: {  	s25 =	rddreg [dreg:$0x13];
	s10 =	sadd.s32 $0x1, s24  }
0x115: {  	p0 =	sne.s32 s10, s25  }
.Ltmp1:
0x116: {  	_ = 	snop;
	(pc) =	sbr.rel @p0 .LBB2_1-.Ltmp1, $3  }
0x117: {  	_ =	sdelay $0x1  }
0x118: {  	[sflag:s9] =	ssyncset.done $0x0  }
0x119: {  	s1 =	simm.s32 $0x9800;
	[sflag:s9] =	ssyncadd.s32 $0xFFFFFFB0;
	s25 =	simm.s32 $0x6800  }
0x11a: {  	_ =	sfence.sel $0x180000  }
0x11b: {  	[bflag:$0x0] =	sbarrier.arrive $0xFFFF  }
0x11c: {  	_ =	strace $0x9000004A  }
0x11d: {  	s0 =	stileid.u32;
	[bflag:$0x2] =	sbarrier.arrive $0xFFFF  }
0x11e: {  	p0 =	sne.s32 s0, $0x0;
	s0 =	rddreg [dreg:$0x3]  }
0x11f: {  	s0 =	sadd.s32 @!p0 $0x100000, s0  }
0x120: {  	[sflag:s0] =	ssyncadd.tile.s32 @!p0 $0x1;
	_ =	shalt  }
.Lfunc_end2:
_tile_overlayer_lowered:
.L_overlay_start_2:
0x121: {  	(tag) =	ssettag $0x2  }
0x122: {  	s0 =	rddreg [dreg:$0x0];
	s2 =	stileid.u32  }
0x123: {  	s1 =	rddreg [dreg:$0x1];
	p0 =	sne.s32 s2, $0x0  }
0x124: {  	s3 =	rddreg [dreg:$0x2];
	[bflag:$0x3] =	sbarrier.arrive $0xFFFF;
	s2 =	simm.s32 @!p0 $0x1C0E  }
0x125: {  	[timem:s3], [sflag:s2] =	dma.local @!p0 [hbm:s0], s1  }
0x126: {  	s0 =	simm.s32 @!p0 $0xE  }
0x127: {  	_ =	swait.ge @!p0 [sflag:s0], s1  }
0x128: {  	s1 =	ssub.s32 @!p0 $0x0, s1;
	[sflag:s0] =	ssyncset.done @!p0 $0x0  }
0x129: {  	[sflag:s0] =	ssyncadd.s32 @!p0 s1  }
0x12a: {  	[bflag:$0x3] =	sbarrier.arrive $0xFFFF  }
0x12b: {  	_ =	shalt  }

</sc_bundles>
